<compile_context>
chip_gen: v7x
topology: tpu7x:2x2x1
jax: 0.10.2.dev20260603
libtpu: 0.0.44.dev20260713+nightly
codegen_flags: <defaults>
</compile_context>

<pallas_src>
import functools

import jax
import jax.numpy as jnp
import numpy as np
from jax import lax
from jax.experimental import pallas as pl
from jax.experimental.pallas import tpu as pltpu
from jax.experimental.pallas import tpu_sc as plsc

_RADIUS = 0.08
_SC_NC = 2
_SC_NS = 16
_NW = _SC_NC * _SC_NS
_G = 12
_CAP = 64
_GX = 32
_HIGH = jax.lax.Precision.HIGHEST


def _two_sum(a, b):
    s = a + b
    bb = s - a
    return s, (a - (s - bb)) + (b - bb)


def _two_prod(a, b):
    p = a * b
    ca = jnp.float32(4097.0) * a
    a_hi = ca - (ca - a)
    a_lo = a - a_hi
    cb = jnp.float32(4097.0) * b
    b_hi = cb - (cb - b)
    b_lo = b - b_hi
    return p, ((a_hi * b_hi - p) + a_hi * b_lo + a_lo * b_hi) + a_lo * b_lo


def _pair_mask(pos_jt, pos_d, rr_hi, rr_lo):
    bi = pos_d.shape[0]
    bj = pos_jt.shape[1]
    s_hi = jnp.zeros((bi, bj), dtype=jnp.float32)
    s_lo = jnp.zeros((bi, bj), dtype=jnp.float32)
    for k in range(3):
        a = pos_jt[k : k + 1, :]
        b = -pos_d[:, k : k + 1]
        dh, dl = _two_sum(a, b)
        sq_hi, sq_lo = _two_prod(dh, dh)
        sq_lo = sq_lo + dl * (dh + dh) + dl * dl
        s_hi, e = _two_sum(s_hi, sq_hi)
        s_lo = s_lo + sq_lo + e
    return (s_hi - rr_hi) + (s_lo - rr_lo) <= 0.0



def _sc_gather2(tbl_a, tbl_b, idx):
    nrows = idx.shape[0]
    da, db = tbl_a.shape[1], tbl_b.shape[1]
    bpw = nrows // _NW
    chunks = [(o, min(128, bpw - o)) for o in range(0, bpw, 128)]
    mesh = plsc.VectorSubcoreMesh(core_axis_name="c", subcore_axis_name="s")

    @functools.partial(
        pl.kernel,
        out_type=[jax.ShapeDtypeStruct((nrows, da), jnp.float32),
                  jax.ShapeDtypeStruct((nrows, db), jnp.float32)],
        mesh=mesh,
        scratch_types=[pltpu.VMEM((bpw,), jnp.int32),
                       pltpu.VMEM((bpw, da), jnp.float32),
                       pltpu.VMEM((bpw, db), jnp.float32),
                       pltpu.SemaphoreType.DMA],
    )
    def k(a_hbm, b_hbm, idx_hbm, ao_hbm, bo_hbm, idx_v, ar_v, br_v, sem):
        wid = lax.axis_index("s") * _SC_NC + lax.axis_index("c")
        base = wid * bpw
        pltpu.sync_copy(idx_hbm.at[pl.ds(base, bpw)], idx_v)
        cps = []
        for o, c in chunks:
            cps.append(pltpu.async_copy(
                a_hbm.at[idx_v.at[pl.ds(o, c)]], ar_v.at[pl.ds(o, c)], sem))
            cps.append(pltpu.async_copy(
                b_hbm.at[idx_v.at[pl.ds(o, c)]], br_v.at[pl.ds(o, c)], sem))
        for cp in cps:
            cp.wait()
        pltpu.sync_copy(ar_v, ao_hbm.at[pl.ds(base, bpw)])
        pltpu.sync_copy(br_v, bo_hbm.at[pl.ds(base, bpw)])

    return k(tbl_a, tbl_b, idx)


def _sc_gather1(tbl, idx):
    nrows = idx.shape[0]
    d = tbl.shape[1]
    bpw = nrows // _NW
    chunks = [(o, min(128, bpw - o)) for o in range(0, bpw, 128)]
    mesh = plsc.VectorSubcoreMesh(core_axis_name="c", subcore_axis_name="s")

    @functools.partial(
        pl.kernel,
        out_type=jax.ShapeDtypeStruct((nrows, d), jnp.float32),
        mesh=mesh,
        scratch_types=[pltpu.VMEM((bpw,), jnp.int32),
                       pltpu.VMEM((bpw, d), jnp.float32),
                       pltpu.SemaphoreType.DMA],
    )
    def k(t_hbm, idx_hbm, o_hbm, idx_v, r_v, sem):
        wid = lax.axis_index("s") * _SC_NC + lax.axis_index("c")
        base = wid * bpw
        pltpu.sync_copy(idx_hbm.at[pl.ds(base, bpw)], idx_v)
        cps = [pltpu.async_copy(
                   t_hbm.at[idx_v.at[pl.ds(o, c)]], r_v.at[pl.ds(o, c)], sem)
               for o, c in chunks]
        for cp in cps:
            cp.wait()
        pltpu.sync_copy(r_v, o_hbm.at[pl.ds(base, bpw)])

    return k(tbl, idx)



def _precompute_body(x_ref, p16_ref, w1x_ref, w1p_ref, b1_ref, b_ref, q_ref):
    q = jnp.dot(p16_ref[...], w1p_ref[...], preferred_element_type=jnp.float32,
                precision=_HIGH)
    b_ref[...] = (
        jnp.dot(x_ref[...], w1x_ref[...], preferred_element_type=jnp.float32,
                precision=_HIGH)
        + q + b1_ref[...]
    )
    q_ref[...] = q


def _precompute_bq(xp, pos16, w1x, w1p16, b1r):
    n, d = xp.shape
    blk = n // 8 if n % 8 == 0 else n
    grid = (n // blk,)
    return pl.pallas_call(
        _precompute_body,
        grid=grid,
        in_specs=[
            pl.BlockSpec((blk, d), lambda i: (i, 0)),
            pl.BlockSpec((blk, 16), lambda i: (i, 0)),
            pl.BlockSpec((d, d), lambda i: (0, 0)),
            pl.BlockSpec((16, d), lambda i: (0, 0)),
            pl.BlockSpec((1, d), lambda i: (0, 0)),
        ],
        out_specs=[
            pl.BlockSpec((blk, d), lambda i: (i, 0)),
            pl.BlockSpec((blk, d), lambda i: (i, 0)),
        ],
        out_shape=[
            jax.ShapeDtypeStruct((n, d), jnp.float32),
            jax.ShapeDtypeStruct((n, d), jnp.float32),
        ],
    )(xp, pos16, w1x, w1p16, b1r)



def _binned_body(starts_ref, bp_ref, p16_ref, q_ref, pd_ref, w2_ref, b2_ref,
                 out_ref, *, bi, cap, nw, rr_hi, rr_lo):
    b = pl.program_id(0)
    pos_d = pd_ref[...]
    run = cap * nw
    bjs, pjs = [], []
    for w in range(nw):
        s = pl.multiple_of(starts_ref[b * nw + w], 8)
        bjs.append(bp_ref[pl.ds(s, cap), :])
        pjs.append(p16_ref[pl.ds(s, cap), :])
    bj = jnp.concatenate(bjs, axis=0)
    pos_j = jnp.concatenate(pjs, axis=0)
    pos_jt = jnp.transpose(pos_j)
    mask = _pair_mask(pos_jt, pos_d, rr_hi, rr_lo)
    pen_t = jnp.where(mask, 0.0, jnp.float32(-1e30))
    a = jnp.maximum(bj[None, :, :] - q_ref[...][:, None, :], 0.0)
    a = a.reshape(bi * run, bj.shape[1])
    h_all = jnp.dot(a, w2_ref[...], preferred_element_type=jnp.float32)
    h3 = h_all.reshape(bi, run, bj.shape[1]) + pen_t[:, :, None]
    out_ref[...] = jnp.max(h3, axis=1) + b2_ref[...]


def _binned_pointconv(starts, bp, posp16, qp, w2, b2r, *, bi, cap, nw):
    npc, d = bp.shape
    nb = npc // bi
    rr = _RADIUS * _RADIUS
    rr_hi = np.float32(rr)
    rr_lo = np.float32(rr - float(np.float32(rr)))
    body = functools.partial(_binned_body, bi=bi, cap=cap, nw=nw,
                             rr_hi=rr_hi, rr_lo=rr_lo)
    grid_spec = pltpu.PrefetchScalarGridSpec(
        num_scalar_prefetch=1,
        grid=(nb,),
        in_specs=[
            pl.BlockSpec(memory_space=pltpu.MemorySpace.VMEM),
            pl.BlockSpec(memory_space=pltpu.MemorySpace.VMEM),
            pl.BlockSpec((bi, d), lambda b, s: (b, 0)),
            pl.BlockSpec((bi, 16), lambda b, s: (b, 0)),
            pl.BlockSpec((d, d), lambda b, s: (0, 0)),
            pl.BlockSpec((1, d), lambda b, s: (0, 0)),
        ],
        out_specs=pl.BlockSpec((bi, d), lambda b, s: (b, 0)),
    )
    return pl.pallas_call(
        body,
        grid_spec=grid_spec,
        out_shape=jax.ShapeDtypeStruct((npc, d), jnp.float32),
        compiler_params=pltpu.CompilerParams(
            dimension_semantics=("arbitrary",),
        ),
    )(starts, bp, posp16, qp, posp16, w2, b2r)



def _build_perm(pos, n):
    g = _G
    gx = _GX
    ncol = g * g
    px = pos[:, 0]
    cy = jnp.clip((pos[:, 1] * g).astype(jnp.int32), 0, g - 1)
    cz = jnp.clip((pos[:, 2] * g).astype(jnp.int32), 0, g - 1)
    col = cz * g + cy
    xb = jnp.clip((px * gx).astype(jnp.int32), 0, gx - 1)
    colx = col * gx + xb
    skey = jnp.sort(colx * 65536 + jnp.arange(n, dtype=jnp.int32))
    order = skey & 0xFFFF
    colx_sorted = skey >> 16
    col_sorted = colx_sorted // gx
    cnt2 = jnp.zeros((ncol * gx,), jnp.int32).at[colx].add(1)
    cnt = cnt2.reshape(ncol, gx).sum(axis=1)
    cnt8 = (cnt + 7) // 8 * 8
    col_start = jnp.concatenate(
        [jnp.zeros((1,), jnp.int32), jnp.cumsum(cnt)]).astype(jnp.int32)
    colpad_start = jnp.concatenate(
        [jnp.zeros((1,), jnp.int32), jnp.cumsum(cnt8)]).astype(jnp.int32)
    cum2 = jnp.concatenate(
        [jnp.zeros((1,), jnp.int32), jnp.cumsum(cnt2)]).astype(jnp.int32)
    npc = ((n + ncol * 7 + 255) // 256) * 256

    diff = colpad_start[:ncol] - col_start[:ncol]
    slot = jnp.arange(n, dtype=jnp.int32) + diff[col_sorted]
    pval = jnp.zeros((npc,), jnp.int32).at[slot].set(slot * 65536 + order)
    perm = lax.cummax(pval) & 0xFFFF

    slot_by_point = jnp.zeros((n,), jnp.int32).at[order].set(slot)
    return perm, slot_by_point, cum2, diff, col, npc


def _build_starts(perm, col, cum2, diff, pxp, npc):
    g = _G
    gx = _GX
    nb = npc // 8
    block_col = col[perm[::8]]
    bcy = block_col % g
    bcz = block_col // g
    bxmin = pxp.reshape(nb, 8).min(axis=1)
    xb0 = jnp.clip(jnp.floor(jnp.maximum(bxmin - _RADIUS, 0.0) * gx),
                   0, gx - 1).astype(jnp.int32)
    cap = min(_CAP, npc)
    ncolx = cum2.shape[0]
    tbl = jnp.concatenate([cum2, diff])
    idxs = []
    for dz in (-1, 0, 1):
        czp = jnp.clip(bcz + dz, 0, g - 1)
        for dy in (-1, 0, 1):
            cyp = jnp.clip(bcy + dy, 0, g - 1)
            cp = czp * g + cyp
            idxs.append(cp * gx + xb0)
            idxs.append(ncolx + cp)
    vals = tbl[jnp.stack(idxs, axis=1)]
    r0 = vals[:, 0::2]
    dif = vals[:, 1::2]
    slot0 = (r0 + dif) // 8 * 8
    starts = jnp.clip(slot0, 0, npc - cap).reshape(nb * 9).astype(jnp.int32)
    return starts, cap


def kernel(x, pos, W1, b1, W2, b2):
    n, d = x.shape
    bi = 8

    perm, slot_by_point, cum2, diff, col, npc = _build_perm(pos, n)

    pos128 = jnp.concatenate(
        [pos, jnp.zeros((n, 125), dtype=jnp.float32)], axis=1)
    xp, posp128 = _sc_gather2(x, pos128, perm)
    posp16 = posp128[:, :16]

    starts, cap = _build_starts(perm, col, cum2, diff, posp16[:, 0], npc)

    w1x = W1[:d]
    w1p16 = jnp.concatenate(
        [W1[d:], jnp.zeros((13, d), dtype=jnp.float32)], axis=0)
    b1r = b1.reshape(1, d)
    b2r = b2.reshape(1, d)

    bp, qp = _precompute_bq(xp, posp16, w1x, w1p16, b1r)

    out_pad = _binned_pointconv(starts, bp, posp16, qp, W2, b2r,
                                bi=bi, cap=cap, nw=9)

    ng = ((n + 255) // 256) * 256
    sbp = jnp.concatenate(
        [slot_by_point, jnp.zeros((ng - n,), jnp.int32)])
    out = _sc_gather1(out_pad, sbp)[:n]
    return (out, pos)

# --- scband reference (transcript-rebuilt; emitter-appended) ---
"""Pipeline reference for scband-point-conv-net-83854941487655 (READ-ONLY COPY).

The authoritative reference and input builder live on the scoring server;
editing this copy changes nothing except your own understanding.
"""

import jax, jax.numpy as jnp
import numpy as np

R = 0.08
N = 10000
D = 128


def _radius_edges(pos_np, r):
    n = pos_np.shape[0]
    sq = (pos_np ** 2).sum(axis=1)
    srcs = []
    dsts = []
    chunk = 2000
    for s in range(0, n, chunk):
        e = min(s + chunk, n)
        d2 = sq[s:e, None] + sq[None, :] - 2.0 * pos_np[s:e] @ pos_np.T
        ii, jj = np.nonzero(d2 <= r * r)
        ii = ii + s
        m = ii != jj
        srcs.append(jj[m])
        dsts.append(ii[m])
    src = np.concatenate(srcs).astype(np.int32)
    dst = np.concatenate(dsts).astype(np.int32)
    return src, dst


def setup_inputs(seed: int = 0):
    key = jax.random.key(seed)
    k1, k2, k3, k4 = jax.random.split(key, 4)
    x = jax.random.normal(k1, (N, D), dtype=jnp.float32)
    pos = jax.random.uniform(k2, (N, 3), dtype=jnp.float32)
    W1 = jax.random.normal(k3, (D + 3, D), dtype=jnp.float32) * 0.05
    b1 = jnp.zeros((D,), dtype=jnp.float32)
    W2 = jax.random.normal(k4, (D, D), dtype=jnp.float32) * 0.05
    b2 = jnp.zeros((D,), dtype=jnp.float32)
    return {"x": x, "pos": pos, "W1": W1, "b1": b1, "W2": W2, "b2": b2}


def reference(x, pos, W1, b1, W2, b2):
    n = x.shape[0]
    d = x.shape[1]
    # radius_graph(pos, r, loop=False): all pairs within distance r, no self loops
    # PointNetConv adds self loops by default (add_self_loops=True); since
    # d2(i,i) = 0 <= r*r, including the diagonal in the radius mask yields the
    # same candidate set per destination node as edges + self loops.
    rr = R * R
    rr_hi = jnp.float32(rr)
    rr_lo = jnp.float32(rr - float(np.float32(rr)))
    chunk = 50

    def _two_sum(a, b):
        s = a + b
        bb = s - a
        return s, (a - (s - bb)) + (b - bb)

    def _two_prod(a, b):
        p = a * b
        ca = jnp.float32(4097.0) * a
        a_hi = ca - (ca - a)
        a_lo = a - a_hi
        cb = jnp.float32(4097.0) * b
        b_hi = cb - (cb - b)
        b_lo = b - b_hi
        return p, ((a_hi * b_hi - p) + a_hi * b_lo + a_lo * b_hi) + a_lo * b_lo

    def _body(i, acc):
        s = i * chunk
        pos_c = jax.lax.dynamic_slice(pos, (s, 0), (chunk, 3))
        s_hi = jnp.zeros((chunk, n), dtype=jnp.float32)
        s_lo = jnp.zeros((chunk, n), dtype=jnp.float32)
        for k in range(3):
            dh, dl = _two_sum(pos[None, :, k], -pos_c[:, None, k])
            sq_hi, sq_lo = _two_prod(dh, dh)
            sq_lo = sq_lo + dl * (dh + dh) + dl * dl
            s_hi, e = _two_sum(s_hi, sq_hi)
            s_lo = s_lo + sq_lo + e
        mask = (s_hi - rr_hi) + (s_lo - rr_lo) <= 0.0
        # message: local_nn(concat(x_j, pos_j - pos_i)) ; local_nn = Linear(131,128)-ReLU-Linear(128,128)
        rel = pos[None, :, :] - pos_c[:, None, :]
        feat = jnp.concatenate(
            [jnp.broadcast_to(x[None, :, :], (chunk, n, d)), rel], axis=2
        ).reshape(chunk * n, d + 3)
        h = jnp.maximum(feat @ W1 + b1, 0.0) @ W2 + b2
        h = h.reshape(chunk, n, d)
        # aggregation: max over incoming edges per destination node
        h = jnp.where(mask[:, :, None], h, -jnp.inf)
        return jax.lax.dynamic_update_slice(acc, jnp.max(h, axis=1), (s, 0))

    out = jax.lax.fori_loop(
        0, n // chunk, _body, jnp.zeros((n, d), dtype=jnp.float32)
    )
    # forward returns (x, pos, batch); batch is None here
    return (out, pos)

if __name__ == "__main__":
    import jax
    _d = setup_inputs()
    print(jax.jit(kernel)(*tuple(_d.values())))

</pallas_src>

<mosaic_0001>
#map = affine_map<(d0, d1) -> (0, 0)>
#map1 = affine_map<(d0, d1) -> (0)>
module attributes {stable_mosaic.version = 14 : i64} {
  func.func @k(%arg0: i32, %arg1: i32, %arg2: memref<10000x128xf32, #tpu.memory_space<hbm>>, %arg3: memref<10000x128xf32, #tpu.memory_space<hbm>>, %arg4: memref<11008xi32, #tpu.memory_space<hbm>>, %arg5: memref<11008x128xf32, #tpu.memory_space<hbm>>, %arg6: memref<11008x128xf32, #tpu.memory_space<hbm>>, %arg7: memref<344xi32, #tpu.memory_space<vmem>>, %arg8: memref<344x128xf32, #tpu.memory_space<vmem>>, %arg9: memref<344x128xf32, #tpu.memory_space<vmem>>, %arg10: memref<!tpu.dma_semaphore, #tpu.memory_space<semaphore_mem>>) attributes {dimension_semantics = [#tpu.dimension_semantics<core_parallel>, #tpu.dimension_semantics<subcore_parallel>], iteration_bounds = array<i64: 2, 16>, scalar_prefetch = 0 : i64, scratch_operands = 4 : i64, tpu.core_type = #tpu.core_type<sc_vector_subcore>, window_params = [{transform_indices = #map}, {transform_indices = #map}, {transform_indices = #map1}, {transform_indices = #map}, {transform_indices = #map}]} {
    %mul3A = arith.constant 2 : i32
    %mul3A_0 = arith.muli %arg1, %mul3A : i32
    %add3A = arith.addi %mul3A_0, %arg0 : i32
    %mul3A_1 = arith.constant 344 : i32
    %mul3A_2 = arith.muli %add3A, %mul3A_1 : i32
    "tpu.region"() ({
      %run_scoped3A = tpu.sem_alloc : memref<!tpu.dma_semaphore, #tpu.memory_space<semaphore_mem>>
      %dma_start3A_97 = tpu.memref_slice %arg4[%mul3A_2] : memref<11008xi32, #tpu.memory_space<hbm>> -> memref<344xi32, #tpu.memory_space<hbm>>
      %dma_start3A_98 = tpu.memref_slice %arg4[%mul3A_2] : memref<11008xi32, #tpu.memory_space<hbm>> -> memref<344xi32, #tpu.memory_space<hbm>>
      tpu.enqueue_dma source(%dma_start3A_98 : memref<344xi32, #tpu.memory_space<hbm>>) target(%arg7 : memref<344xi32, #tpu.memory_space<vmem>>) target_semaphore(%run_scoped3A : memref<!tpu.dma_semaphore, #tpu.memory_space<semaphore_mem>>)
      %dma_wait3A_99 = tpu.memref_slice %arg4[%mul3A_2] : memref<11008xi32, #tpu.memory_space<hbm>> -> memref<344xi32, #tpu.memory_space<hbm>>
      %dma_wait3A_100 = tpu.memref_slice %arg4[%mul3A_2] : memref<11008xi32, #tpu.memory_space<hbm>> -> memref<344xi32, #tpu.memory_space<hbm>>
      tpu.wait_dma2 semaphore(%run_scoped3A : memref<!tpu.dma_semaphore, #tpu.memory_space<semaphore_mem>>) src(%dma_wait3A_100 : memref<344xi32, #tpu.memory_space<hbm>>) dst(%arg7 : memref<344xi32, #tpu.memory_space<vmem>>)
      tpu.yield
    }) : () -> ()
    %dma_start3A = arith.constant 0 : i32
    %dma_start3A_3 = arith.constant 0 : i32
    %dma_start3A_4 = tpu.memref_slice %arg8[%dma_start3A, %dma_start3A_3] : memref<344x128xf32, #tpu.memory_space<vmem>> -> memref<128x128xf32, #tpu.memory_space<vmem>>
    %dma_start3A_5 = arith.constant 0 : i32
    %dma_start3A_6 = tpu.memref_slice %arg7[%dma_start3A_5] : memref<344xi32, #tpu.memory_space<vmem>> -> memref<128xi32, #tpu.memory_space<vmem>>
    %dma_start3A_7 = arith.constant 0 : i32
    %dma_start3A_8 = arith.constant 0 : i32
    %dma_start3A_9 = tpu.memref_slice %arg2[%dma_start3A_7, %dma_start3A_8] : memref<10000x128xf32, #tpu.memory_space<hbm>> -> memref<10000x128xf32, #tpu.memory_space<hbm>>
    tpu.enqueue_indirect_dma source(%dma_start3A_9 : memref<10000x128xf32, #tpu.memory_space<hbm>>) target(%dma_start3A_4 : memref<128x128xf32, #tpu.memory_space<vmem>>) offsets(%dma_start3A_6 : memref<128xi32, #tpu.memory_space<vmem>>) semaphore(%arg10 : memref<!tpu.dma_semaphore, #tpu.memory_space<semaphore_mem>>)
    %dma_start3A_10 = arith.constant 0 : i32
    %dma_start3A_11 = arith.constant 0 : i32
    %dma_start3A_12 = tpu.memref_slice %arg9[%dma_start3A_10, %dma_start3A_11] : memref<344x128xf32, #tpu.memory_space<vmem>> -> memref<128x128xf32, #tpu.memory_space<vmem>>
    %dma_start3A_13 = arith.constant 0 : i32
    %dma_start3A_14 = tpu.memref_slice %arg7[%dma_start3A_13] : memref<344xi32, #tpu.memory_space<vmem>> -> memref<128xi32, #tpu.memory_space<vmem>>
    %dma_start3A_15 = arith.constant 0 : i32
    %dma_start3A_16 = arith.constant 0 : i32
    %dma_start3A_17 = tpu.memref_slice %arg3[%dma_start3A_15, %dma_start3A_16] : memref<10000x128xf32, #tpu.memory_space<hbm>> -> memref<10000x128xf32, #tpu.memory_space<hbm>>
    tpu.enqueue_indirect_dma source(%dma_start3A_17 : memref<10000x128xf32, #tpu.memory_space<hbm>>) target(%dma_start3A_12 : memref<128x128xf32, #tpu.memory_space<vmem>>) offsets(%dma_start3A_14 : memref<128xi32, #tpu.memory_space<vmem>>) semaphore(%arg10 : memref<!tpu.dma_semaphore, #tpu.memory_space<semaphore_mem>>)
    %dma_start3A_18 = arith.constant 128 : i32
    %dma_start3A_19 = arith.constant 0 : i32
    %dma_start3A_20 = tpu.memref_slice %arg8[%dma_start3A_18, %dma_start3A_19] : memref<344x128xf32, #tpu.memory_space<vmem>> -> memref<128x128xf32, #tpu.memory_space<vmem>>
    %dma_start3A_21 = arith.constant 128 : i32
    %dma_start3A_22 = tpu.memref_slice %arg7[%dma_start3A_21] : memref<344xi32, #tpu.memory_space<vmem>> -> memref<128xi32, #tpu.memory_space<vmem>>
    %dma_start3A_23 = arith.constant 0 : i32
    %dma_start3A_24 = arith.constant 0 : i32
    %dma_start3A_25 = tpu.memref_slice %arg2[%dma_start3A_23, %dma_start3A_24] : memref<10000x128xf32, #tpu.memory_space<hbm>> -> memref<10000x128xf32, #tpu.memory_space<hbm>>
    tpu.enqueue_indirect_dma source(%dma_start3A_25 : memref<10000x128xf32, #tpu.memory_space<hbm>>) target(%dma_start3A_20 : memref<128x128xf32, #tpu.memory_space<vmem>>) offsets(%dma_start3A_22 : memref<128xi32, #tpu.memory_space<vmem>>) semaphore(%arg10 : memref<!tpu.dma_semaphore, #tpu.memory_space<semaphore_mem>>)
    %dma_start3A_26 = arith.constant 128 : i32
    %dma_start3A_27 = arith.constant 0 : i32
    %dma_start3A_28 = tpu.memref_slice %arg9[%dma_start3A_26, %dma_start3A_27] : memref<344x128xf32, #tpu.memory_space<vmem>> -> memref<128x128xf32, #tpu.memory_space<vmem>>
    %dma_start3A_29 = arith.constant 128 : i32
    %dma_start3A_30 = tpu.memref_slice %arg7[%dma_start3A_29] : memref<344xi32, #tpu.memory_space<vmem>> -> memref<128xi32, #tpu.memory_space<vmem>>
    %dma_start3A_31 = arith.constant 0 : i32
    %dma_start3A_32 = arith.constant 0 : i32
    %dma_start3A_33 = tpu.memref_slice %arg3[%dma_start3A_31, %dma_start3A_32] : memref<10000x128xf32, #tpu.memory_space<hbm>> -> memref<10000x128xf32, #tpu.memory_space<hbm>>
    tpu.enqueue_indirect_dma source(%dma_start3A_33 : memref<10000x128xf32, #tpu.memory_space<hbm>>) target(%dma_start3A_28 : memref<128x128xf32, #tpu.memory_space<vmem>>) offsets(%dma_start3A_30 : memref<128xi32, #tpu.memory_space<vmem>>) semaphore(%arg10 : memref<!tpu.dma_semaphore, #tpu.memory_space<semaphore_mem>>)
    %dma_start3A_34 = arith.constant 256 : i32
    %dma_start3A_35 = arith.constant 0 : i32
    %dma_start3A_36 = tpu.memref_slice %arg8[%dma_start3A_34, %dma_start3A_35] : memref<344x128xf32, #tpu.memory_space<vmem>> -> memref<88x128xf32, #tpu.memory_space<vmem>>
    %dma_start3A_37 = arith.constant 256 : i32
    %dma_start3A_38 = tpu.memref_slice %arg7[%dma_start3A_37] : memref<344xi32, #tpu.memory_space<vmem>> -> memref<88xi32, #tpu.memory_space<vmem>>
    %dma_start3A_39 = arith.constant 0 : i32
    %dma_start3A_40 = arith.constant 0 : i32
    %dma_start3A_41 = tpu.memref_slice %arg2[%dma_start3A_39, %dma_start3A_40] : memref<10000x128xf32, #tpu.memory_space<hbm>> -> memref<10000x128xf32, #tpu.memory_space<hbm>>
    tpu.enqueue_indirect_dma source(%dma_start3A_41 : memref<10000x128xf32, #tpu.memory_space<hbm>>) target(%dma_start3A_36 : memref<88x128xf32, #tpu.memory_space<vmem>>) offsets(%dma_start3A_38 : memref<88xi32, #tpu.memory_space<vmem>>) semaphore(%arg10 : memref<!tpu.dma_semaphore, #tpu.memory_space<semaphore_mem>>)
    %dma_start3A_42 = arith.constant 256 : i32
    %dma_start3A_43 = arith.constant 0 : i32
    %dma_start3A_44 = tpu.memref_slice %arg9[%dma_start3A_42, %dma_start3A_43] : memref<344x128xf32, #tpu.memory_space<vmem>> -> memref<88x128xf32, #tpu.memory_space<vmem>>
    %dma_start3A_45 = arith.constant 256 : i32
    %dma_start3A_46 = tpu.memref_slice %arg7[%dma_start3A_45] : memref<344xi32, #tpu.memory_space<vmem>> -> memref<88xi32, #tpu.memory_space<vmem>>
    %dma_start3A_47 = arith.constant 0 : i32
    %dma_start3A_48 = arith.constant 0 : i32
    %dma_start3A_49 = tpu.memref_slice %arg3[%dma_start3A_47, %dma_start3A_48] : memref<10000x128xf32, #tpu.memory_space<hbm>> -> memref<10000x128xf32, #tpu.memory_space<hbm>>
    tpu.enqueue_indirect_dma source(%dma_start3A_49 : memref<10000x128xf32, #tpu.memory_space<hbm>>) target(%dma_start3A_44 : memref<88x128xf32, #tpu.memory_space<vmem>>) offsets(%dma_start3A_46 : memref<88xi32, #tpu.memory_space<vmem>>) semaphore(%arg10 : memref<!tpu.dma_semaphore, #tpu.memory_space<semaphore_mem>>)
    %dma_wait3A = arith.constant 0 : i32
    %dma_wait3A_50 = arith.constant 0 : i32
    %dma_wait3A_51 = tpu.memref_slice %arg8[%dma_wait3A, %dma_wait3A_50] : memref<344x128xf32, #tpu.memory_space<vmem>> -> memref<128x128xf32, #tpu.memory_space<vmem>>
    %dma_wait3A_52 = arith.constant 0 : i32
    %dma_wait3A_53 = tpu.memref_slice %arg7[%dma_wait3A_52] : memref<344xi32, #tpu.memory_space<vmem>> -> memref<128xi32, #tpu.memory_space<vmem>>
    %dma_wait3A_54 = arith.constant 0 : i32
    %dma_wait3A_55 = arith.constant 0 : i32
    %dma_wait3A_56 = tpu.memref_slice %arg2[%dma_wait3A_54, %dma_wait3A_55] : memref<10000x128xf32, #tpu.memory_space<hbm>> -> memref<10000x128xf32, #tpu.memory_space<hbm>>
    tpu.wait_indirect_dma semaphore(%arg10 : memref<!tpu.dma_semaphore, #tpu.memory_space<semaphore_mem>>) src(%dma_wait3A_56 : memref<10000x128xf32, #tpu.memory_space<hbm>>) dst(%dma_wait3A_51 : memref<128x128xf32, #tpu.memory_space<vmem>>)
    %dma_wait3A_57 = arith.constant 0 : i32
    %dma_wait3A_58 = arith.constant 0 : i32
    %dma_wait3A_59 = tpu.memref_slice %arg9[%dma_wait3A_57, %dma_wait3A_58] : memref<344x128xf32, #tpu.memory_space<vmem>> -> memref<128x128xf32, #tpu.memory_space<vmem>>
    %dma_wait3A_60 = arith.constant 0 : i32
    %dma_wait3A_61 = tpu.memref_slice %arg7[%dma_wait3A_60] : memref<344xi32, #tpu.memory_space<vmem>> -> memref<128xi32, #tpu.memory_space<vmem>>
    %dma_wait3A_62 = arith.constant 0 : i32
    %dma_wait3A_63 = arith.constant 0 : i32
    %dma_wait3A_64 = tpu.memref_slice %arg3[%dma_wait3A_62, %dma_wait3A_63] : memref<10000x128xf32, #tpu.memory_space<hbm>> -> memref<10000x128xf32, #tpu.memory_space<hbm>>
    tpu.wait_indirect_dma semaphore(%arg10 : memref<!tpu.dma_semaphore, #tpu.memory_space<semaphore_mem>>) src(%dma_wait3A_64 : memref<10000x128xf32, #tpu.memory_space<hbm>>) dst(%dma_wait3A_59 : memref<128x128xf32, #tpu.memory_space<vmem>>)
    %dma_wait3A_65 = arith.constant 128 : i32
    %dma_wait3A_66 = arith.constant 0 : i32
    %dma_wait3A_67 = tpu.memref_slice %arg8[%dma_wait3A_65, %dma_wait3A_66] : memref<344x128xf32, #tpu.memory_space<vmem>> -> memref<128x128xf32, #tpu.memory_space<vmem>>
    %dma_wait3A_68 = arith.constant 128 : i32
    %dma_wait3A_69 = tpu.memref_slice %arg7[%dma_wait3A_68] : memref<344xi32, #tpu.memory_space<vmem>> -> memref<128xi32, #tpu.memory_space<vmem>>
    %dma_wait3A_70 = arith.constant 0 : i32
    %dma_wait3A_71 = arith.constant 0 : i32
    %dma_wait3A_72 = tpu.memref_slice %arg2[%dma_wait3A_70, %dma_wait3A_71] : memref<10000x128xf32, #tpu.memory_space<hbm>> -> memref<10000x128xf32, #tpu.memory_space<hbm>>
    tpu.wait_indirect_dma semaphore(%arg10 : memref<!tpu.dma_semaphore, #tpu.memory_space<semaphore_mem>>) src(%dma_wait3A_72 : memref<10000x128xf32, #tpu.memory_space<hbm>>) dst(%dma_wait3A_67 : memref<128x128xf32, #tpu.memory_space<vmem>>)
    %dma_wait3A_73 = arith.constant 128 : i32
    %dma_wait3A_74 = arith.constant 0 : i32
    %dma_wait3A_75 = tpu.memref_slice %arg9[%dma_wait3A_73, %dma_wait3A_74] : memref<344x128xf32, #tpu.memory_space<vmem>> -> memref<128x128xf32, #tpu.memory_space<vmem>>
    %dma_wait3A_76 = arith.constant 128 : i32
    %dma_wait3A_77 = tpu.memref_slice %arg7[%dma_wait3A_76] : memref<344xi32, #tpu.memory_space<vmem>> -> memref<128xi32, #tpu.memory_space<vmem>>
    %dma_wait3A_78 = arith.constant 0 : i32
    %dma_wait3A_79 = arith.constant 0 : i32
    %dma_wait3A_80 = tpu.memref_slice %arg3[%dma_wait3A_78, %dma_wait3A_79] : memref<10000x128xf32, #tpu.memory_space<hbm>> -> memref<10000x128xf32, #tpu.memory_space<hbm>>
    tpu.wait_indirect_dma semaphore(%arg10 : memref<!tpu.dma_semaphore, #tpu.memory_space<semaphore_mem>>) src(%dma_wait3A_80 : memref<10000x128xf32, #tpu.memory_space<hbm>>) dst(%dma_wait3A_75 : memref<128x128xf32, #tpu.memory_space<vmem>>)
    %dma_wait3A_81 = arith.constant 256 : i32
    %dma_wait3A_82 = arith.constant 0 : i32
    %dma_wait3A_83 = tpu.memref_slice %arg8[%dma_wait3A_81, %dma_wait3A_82] : memref<344x128xf32, #tpu.memory_space<vmem>> -> memref<88x128xf32, #tpu.memory_space<vmem>>
    %dma_wait3A_84 = arith.constant 256 : i32
    %dma_wait3A_85 = tpu.memref_slice %arg7[%dma_wait3A_84] : memref<344xi32, #tpu.memory_space<vmem>> -> memref<88xi32, #tpu.memory_space<vmem>>
    %dma_wait3A_86 = arith.constant 0 : i32
    %dma_wait3A_87 = arith.constant 0 : i32
    %dma_wait3A_88 = tpu.memref_slice %arg2[%dma_wait3A_86, %dma_wait3A_87] : memref<10000x128xf32, #tpu.memory_space<hbm>> -> memref<10000x128xf32, #tpu.memory_space<hbm>>
    tpu.wait_indirect_dma semaphore(%arg10 : memref<!tpu.dma_semaphore, #tpu.memory_space<semaphore_mem>>) src(%dma_wait3A_88 : memref<10000x128xf32, #tpu.memory_space<hbm>>) dst(%dma_wait3A_83 : memref<88x128xf32, #tpu.memory_space<vmem>>)
    %dma_wait3A_89 = arith.constant 256 : i32
    %dma_wait3A_90 = arith.constant 0 : i32
    %dma_wait3A_91 = tpu.memref_slice %arg9[%dma_wait3A_89, %dma_wait3A_90] : memref<344x128xf32, #tpu.memory_space<vmem>> -> memref<88x128xf32, #tpu.memory_space<vmem>>
    %dma_wait3A_92 = arith.constant 256 : i32
    %dma_wait3A_93 = tpu.memref_slice %arg7[%dma_wait3A_92] : memref<344xi32, #tpu.memory_space<vmem>> -> memref<88xi32, #tpu.memory_space<vmem>>
    %dma_wait3A_94 = arith.constant 0 : i32
    %dma_wait3A_95 = arith.constant 0 : i32
    %dma_wait3A_96 = tpu.memref_slice %arg3[%dma_wait3A_94, %dma_wait3A_95] : memref<10000x128xf32, #tpu.memory_space<hbm>> -> memref<10000x128xf32, #tpu.memory_space<hbm>>
    tpu.wait_indirect_dma semaphore(%arg10 : memref<!tpu.dma_semaphore, #tpu.memory_space<semaphore_mem>>) src(%dma_wait3A_96 : memref<10000x128xf32, #tpu.memory_space<hbm>>) dst(%dma_wait3A_91 : memref<88x128xf32, #tpu.memory_space<vmem>>)
    "tpu.region"() ({
      %run_scoped3A = tpu.sem_alloc : memref<!tpu.dma_semaphore, #tpu.memory_space<semaphore_mem>>
      %dma_start3A_97 = arith.constant 0 : i32
      %dma_start3A_98 = tpu.memref_slice %arg5[%mul3A_2, %dma_start3A_97] : memref<11008x128xf32, #tpu.memory_space<hbm>> -> memref<344x128xf32, #tpu.memory_space<hbm>>
      %dma_start3A_99 = arith.constant 0 : i32
      %dma_start3A_100 = tpu.memref_slice %arg5[%mul3A_2, %dma_start3A_99] : memref<11008x128xf32, #tpu.memory_space<hbm>> -> memref<344x128xf32, #tpu.memory_space<hbm>>
      tpu.enqueue_dma source(%arg8 : memref<344x128xf32, #tpu.memory_space<vmem>>) target(%dma_start3A_100 : memref<344x128xf32, #tpu.memory_space<hbm>>) target_semaphore(%run_scoped3A : memref<!tpu.dma_semaphore, #tpu.memory_space<semaphore_mem>>)
      %dma_wait3A_101 = arith.constant 0 : i32
      %dma_wait3A_102 = tpu.memref_slice %arg5[%mul3A_2, %dma_wait3A_101] : memref<11008x128xf32, #tpu.memory_space<hbm>> -> memref<344x128xf32, #tpu.memory_space<hbm>>
      %dma_wait3A_103 = arith.constant 0 : i32
      %dma_wait3A_104 = tpu.memref_slice %arg5[%mul3A_2, %dma_wait3A_103] : memref<11008x128xf32, #tpu.memory_space<hbm>> -> memref<344x128xf32, #tpu.memory_space<hbm>>
      tpu.wait_dma2 semaphore(%run_scoped3A : memref<!tpu.dma_semaphore, #tpu.memory_space<semaphore_mem>>) src(%arg8 : memref<344x128xf32, #tpu.memory_space<vmem>>) dst(%dma_wait3A_104 : memref<344x128xf32, #tpu.memory_space<hbm>>)
      tpu.yield
    }) : () -> ()
    "tpu.region"() ({
      %run_scoped3A = tpu.sem_alloc : memref<!tpu.dma_semaphore, #tpu.memory_space<semaphore_mem>>
      %dma_start3A_97 = arith.constant 0 : i32
      %dma_start3A_98 = tpu.memref_slice %arg6[%mul3A_2, %dma_start3A_97] : memref<11008x128xf32, #tpu.memory_space<hbm>> -> memref<344x128xf32, #tpu.memory_space<hbm>>
      %dma_start3A_99 = arith.constant 0 : i32
      %dma_start3A_100 = tpu.memref_slice %arg6[%mul3A_2, %dma_start3A_99] : memref<11008x128xf32, #tpu.memory_space<hbm>> -> memref<344x128xf32, #tpu.memory_space<hbm>>
      tpu.enqueue_dma source(%arg9 : memref<344x128xf32, #tpu.memory_space<vmem>>) target(%dma_start3A_100 : memref<344x128xf32, #tpu.memory_space<hbm>>) target_semaphore(%run_scoped3A : memref<!tpu.dma_semaphore, #tpu.memory_space<semaphore_mem>>)
      %dma_wait3A_101 = arith.constant 0 : i32
      %dma_wait3A_102 = tpu.memref_slice %arg6[%mul3A_2, %dma_wait3A_101] : memref<11008x128xf32, #tpu.memory_space<hbm>> -> memref<344x128xf32, #tpu.memory_space<hbm>>
      %dma_wait3A_103 = arith.constant 0 : i32
      %dma_wait3A_104 = tpu.memref_slice %arg6[%mul3A_2, %dma_wait3A_103] : memref<11008x128xf32, #tpu.memory_space<hbm>> -> memref<344x128xf32, #tpu.memory_space<hbm>>
      tpu.wait_dma2 semaphore(%run_scoped3A : memref<!tpu.dma_semaphore, #tpu.memory_space<semaphore_mem>>) src(%arg9 : memref<344x128xf32, #tpu.memory_space<vmem>>) dst(%dma_wait3A_104 : memref<344x128xf32, #tpu.memory_space<hbm>>)
      tpu.yield
    }) : () -> ()
    return
  }
}

#map = affine_map<(d0, d1) -> (0, 0)>
#map1 = affine_map<(d0, d1) -> (0)>
module attributes {stable_mosaic.version = 14 : i64} {
  func.func @k(%arg0: i32, %arg1: i32, %arg2: memref<11008x128xf32, #tpu.memory_space<hbm>>, %arg3: memref<10240xi32, #tpu.memory_space<hbm>>, %arg4: memref<10240x128xf32, #tpu.memory_space<hbm>>, %arg5: memref<320xi32, #tpu.memory_space<vmem>>, %arg6: memref<320x128xf32, #tpu.memory_space<vmem>>, %arg7: memref<!tpu.dma_semaphore, #tpu.memory_space<semaphore_mem>>) attributes {dimension_semantics = [#tpu.dimension_semantics<core_parallel>, #tpu.dimension_semantics<subcore_parallel>], iteration_bounds = array<i64: 2, 16>, scalar_prefetch = 0 : i64, scratch_operands = 3 : i64, tpu.core_type = #tpu.core_type<sc_vector_subcore>, window_params = [{transform_indices = #map}, {transform_indices = #map1}, {transform_indices = #map}]} {
    %mul3A = arith.constant 2 : i32
    %mul3A_0 = arith.muli %arg1, %mul3A : i32
    %add3A = arith.addi %mul3A_0, %arg0 : i32
    %mul3A_1 = arith.constant 320 : i32
    %mul3A_2 = arith.muli %add3A, %mul3A_1 : i32
    "tpu.region"() ({
      %run_scoped3A = tpu.sem_alloc : memref<!tpu.dma_semaphore, #tpu.memory_space<semaphore_mem>>
      %dma_start3A_49 = tpu.memref_slice %arg3[%mul3A_2] : memref<10240xi32, #tpu.memory_space<hbm>> -> memref<320xi32, #tpu.memory_space<hbm>>
      %dma_start3A_50 = tpu.memref_slice %arg3[%mul3A_2] : memref<10240xi32, #tpu.memory_space<hbm>> -> memref<320xi32, #tpu.memory_space<hbm>>
      tpu.enqueue_dma source(%dma_start3A_50 : memref<320xi32, #tpu.memory_space<hbm>>) target(%arg5 : memref<320xi32, #tpu.memory_space<vmem>>) target_semaphore(%run_scoped3A : memref<!tpu.dma_semaphore, #tpu.memory_space<semaphore_mem>>)
      %dma_wait3A_51 = tpu.memref_slice %arg3[%mul3A_2] : memref<10240xi32, #tpu.memory_space<hbm>> -> memref<320xi32, #tpu.memory_space<hbm>>
      %dma_wait3A_52 = tpu.memref_slice %arg3[%mul3A_2] : memref<10240xi32, #tpu.memory_space<hbm>> -> memref<320xi32, #tpu.memory_space<hbm>>
      tpu.wait_dma2 semaphore(%run_scoped3A : memref<!tpu.dma_semaphore, #tpu.memory_space<semaphore_mem>>) src(%dma_wait3A_52 : memref<320xi32, #tpu.memory_space<hbm>>) dst(%arg5 : memref<320xi32, #tpu.memory_space<vmem>>)
      tpu.yield
    }) : () -> ()
    %dma_start3A = arith.constant 0 : i32
    %dma_start3A_3 = arith.constant 0 : i32
    %dma_start3A_4 = tpu.memref_slice %arg6[%dma_start3A, %dma_start3A_3] : memref<320x128xf32, #tpu.memory_space<vmem>> -> memref<128x128xf32, #tpu.memory_space<vmem>>
    %dma_start3A_5 = arith.constant 0 : i32
    %dma_start3A_6 = tpu.memref_slice %arg5[%dma_start3A_5] : memref<320xi32, #tpu.memory_space<vmem>> -> memref<128xi32, #tpu.memory_space<vmem>>
    %dma_start3A_7 = arith.constant 0 : i32
    %dma_start3A_8 = arith.constant 0 : i32
    %dma_start3A_9 = tpu.memref_slice %arg2[%dma_start3A_7, %dma_start3A_8] : memref<11008x128xf32, #tpu.memory_space<hbm>> -> memref<11008x128xf32, #tpu.memory_space<hbm>>
    tpu.enqueue_indirect_dma source(%dma_start3A_9 : memref<11008x128xf32, #tpu.memory_space<hbm>>) target(%dma_start3A_4 : memref<128x128xf32, #tpu.memory_space<vmem>>) offsets(%dma_start3A_6 : memref<128xi32, #tpu.memory_space<vmem>>) semaphore(%arg7 : memref<!tpu.dma_semaphore, #tpu.memory_space<semaphore_mem>>)
    %dma_start3A_10 = arith.constant 128 : i32
    %dma_start3A_11 = arith.constant 0 : i32
    %dma_start3A_12 = tpu.memref_slice %arg6[%dma_start3A_10, %dma_start3A_11] : memref<320x128xf32, #tpu.memory_space<vmem>> -> memref<128x128xf32, #tpu.memory_space<vmem>>
    %dma_start3A_13 = arith.constant 128 : i32
    %dma_start3A_14 = tpu.memref_slice %arg5[%dma_start3A_13] : memref<320xi32, #tpu.memory_space<vmem>> -> memref<128xi32, #tpu.memory_space<vmem>>
    %dma_start3A_15 = arith.constant 0 : i32
    %dma_start3A_16 = arith.constant 0 : i32
    %dma_start3A_17 = tpu.memref_slice %arg2[%dma_start3A_15, %dma_start3A_16] : memref<11008x128xf32, #tpu.memory_space<hbm>> -> memref<11008x128xf32, #tpu.memory_space<hbm>>
    tpu.enqueue_indirect_dma source(%dma_start3A_17 : memref<11008x128xf32, #tpu.memory_space<hbm>>) target(%dma_start3A_12 : memref<128x128xf32, #tpu.memory_space<vmem>>) offsets(%dma_start3A_14 : memref<128xi32, #tpu.memory_space<vmem>>) semaphore(%arg7 : memref<!tpu.dma_semaphore, #tpu.memory_space<semaphore_mem>>)
    %dma_start3A_18 = arith.constant 256 : i32
    %dma_start3A_19 = arith.constant 0 : i32
    %dma_start3A_20 = tpu.memref_slice %arg6[%dma_start3A_18, %dma_start3A_19] : memref<320x128xf32, #tpu.memory_space<vmem>> -> memref<64x128xf32, #tpu.memory_space<vmem>>
    %dma_start3A_21 = arith.constant 256 : i32
    %dma_start3A_22 = tpu.memref_slice %arg5[%dma_start3A_21] : memref<320xi32, #tpu.memory_space<vmem>> -> memref<64xi32, #tpu.memory_space<vmem>>
    %dma_start3A_23 = arith.constant 0 : i32
    %dma_start3A_24 = arith.constant 0 : i32
    %dma_start3A_25 = tpu.memref_slice %arg2[%dma_start3A_23, %dma_start3A_24] : memref<11008x128xf32, #tpu.memory_space<hbm>> -> memref<11008x128xf32, #tpu.memory_space<hbm>>
    tpu.enqueue_indirect_dma source(%dma_start3A_25 : memref<11008x128xf32, #tpu.memory_space<hbm>>) target(%dma_start3A_20 : memref<64x128xf32, #tpu.memory_space<vmem>>) offsets(%dma_start3A_22 : memref<64xi32, #tpu.memory_space<vmem>>) semaphore(%arg7 : memref<!tpu.dma_semaphore, #tpu.memory_space<semaphore_mem>>)
    %dma_wait3A = arith.constant 0 : i32
    %dma_wait3A_26 = arith.constant 0 : i32
    %dma_wait3A_27 = tpu.memref_slice %arg6[%dma_wait3A, %dma_wait3A_26] : memref<320x128xf32, #tpu.memory_space<vmem>> -> memref<128x128xf32, #tpu.memory_space<vmem>>
    %dma_wait3A_28 = arith.constant 0 : i32
    %dma_wait3A_29 = tpu.memref_slice %arg5[%dma_wait3A_28] : memref<320xi32, #tpu.memory_space<vmem>> -> memref<128xi32, #tpu.memory_space<vmem>>
    %dma_wait3A_30 = arith.constant 0 : i32
    %dma_wait3A_31 = arith.constant 0 : i32
    %dma_wait3A_32 = tpu.memref_slice %arg2[%dma_wait3A_30, %dma_wait3A_31] : memref<11008x128xf32, #tpu.memory_space<hbm>> -> memref<11008x128xf32, #tpu.memory_space<hbm>>
    tpu.wait_indirect_dma semaphore(%arg7 : memref<!tpu.dma_semaphore, #tpu.memory_space<semaphore_mem>>) src(%dma_wait3A_32 : memref<11008x128xf32, #tpu.memory_space<hbm>>) dst(%dma_wait3A_27 : memref<128x128xf32, #tpu.memory_space<vmem>>)
    %dma_wait3A_33 = arith.constant 128 : i32
    %dma_wait3A_34 = arith.constant 0 : i32
    %dma_wait3A_35 = tpu.memref_slice %arg6[%dma_wait3A_33, %dma_wait3A_34] : memref<320x128xf32, #tpu.memory_space<vmem>> -> memref<128x128xf32, #tpu.memory_space<vmem>>
    %dma_wait3A_36 = arith.constant 128 : i32
    %dma_wait3A_37 = tpu.memref_slice %arg5[%dma_wait3A_36] : memref<320xi32, #tpu.memory_space<vmem>> -> memref<128xi32, #tpu.memory_space<vmem>>
    %dma_wait3A_38 = arith.constant 0 : i32
    %dma_wait3A_39 = arith.constant 0 : i32
    %dma_wait3A_40 = tpu.memref_slice %arg2[%dma_wait3A_38, %dma_wait3A_39] : memref<11008x128xf32, #tpu.memory_space<hbm>> -> memref<11008x128xf32, #tpu.memory_space<hbm>>
    tpu.wait_indirect_dma semaphore(%arg7 : memref<!tpu.dma_semaphore, #tpu.memory_space<semaphore_mem>>) src(%dma_wait3A_40 : memref<11008x128xf32, #tpu.memory_space<hbm>>) dst(%dma_wait3A_35 : memref<128x128xf32, #tpu.memory_space<vmem>>)
    %dma_wait3A_41 = arith.constant 256 : i32
    %dma_wait3A_42 = arith.constant 0 : i32
    %dma_wait3A_43 = tpu.memref_slice %arg6[%dma_wait3A_41, %dma_wait3A_42] : memref<320x128xf32, #tpu.memory_space<vmem>> -> memref<64x128xf32, #tpu.memory_space<vmem>>
    %dma_wait3A_44 = arith.constant 256 : i32
    %dma_wait3A_45 = tpu.memref_slice %arg5[%dma_wait3A_44] : memref<320xi32, #tpu.memory_space<vmem>> -> memref<64xi32, #tpu.memory_space<vmem>>
    %dma_wait3A_46 = arith.constant 0 : i32
    %dma_wait3A_47 = arith.constant 0 : i32
    %dma_wait3A_48 = tpu.memref_slice %arg2[%dma_wait3A_46, %dma_wait3A_47] : memref<11008x128xf32, #tpu.memory_space<hbm>> -> memref<11008x128xf32, #tpu.memory_space<hbm>>
    tpu.wait_indirect_dma semaphore(%arg7 : memref<!tpu.dma_semaphore, #tpu.memory_space<semaphore_mem>>) src(%dma_wait3A_48 : memref<11008x128xf32, #tpu.memory_space<hbm>>) dst(%dma_wait3A_43 : memref<64x128xf32, #tpu.memory_space<vmem>>)
    "tpu.region"() ({
      %run_scoped3A = tpu.sem_alloc : memref<!tpu.dma_semaphore, #tpu.memory_space<semaphore_mem>>
      %dma_start3A_49 = arith.constant 0 : i32
      %dma_start3A_50 = tpu.memref_slice %arg4[%mul3A_2, %dma_start3A_49] : memref<10240x128xf32, #tpu.memory_space<hbm>> -> memref<320x128xf32, #tpu.memory_space<hbm>>
      %dma_start3A_51 = arith.constant 0 : i32
      %dma_start3A_52 = tpu.memref_slice %arg4[%mul3A_2, %dma_start3A_51] : memref<10240x128xf32, #tpu.memory_space<hbm>> -> memref<320x128xf32, #tpu.memory_space<hbm>>
      tpu.enqueue_dma source(%arg6 : memref<320x128xf32, #tpu.memory_space<vmem>>) target(%dma_start3A_52 : memref<320x128xf32, #tpu.memory_space<hbm>>) target_semaphore(%run_scoped3A : memref<!tpu.dma_semaphore, #tpu.memory_space<semaphore_mem>>)
      %dma_wait3A_53 = arith.constant 0 : i32
      %dma_wait3A_54 = tpu.memref_slice %arg4[%mul3A_2, %dma_wait3A_53] : memref<10240x128xf32, #tpu.memory_space<hbm>> -> memref<320x128xf32, #tpu.memory_space<hbm>>
      %dma_wait3A_55 = arith.constant 0 : i32
      %dma_wait3A_56 = tpu.memref_slice %arg4[%mul3A_2, %dma_wait3A_55] : memref<10240x128xf32, #tpu.memory_space<hbm>> -> memref<320x128xf32, #tpu.memory_space<hbm>>
      tpu.wait_dma2 semaphore(%run_scoped3A : memref<!tpu.dma_semaphore, #tpu.memory_space<semaphore_mem>>) src(%arg6 : memref<320x128xf32, #tpu.memory_space<vmem>>) dst(%dma_wait3A_56 : memref<320x128xf32, #tpu.memory_space<hbm>>)
      tpu.yield
    }) : () -> ()
    return
  }
}

module attributes {stable_mosaic.version = 14 : i64} {
  func.func @_precompute_body(%arg0: i32, %arg1: memref<1376x128xf32, #tpu.memory_space<vmem>>, %arg2: memref<1376x16xf32, #tpu.memory_space<vmem>>, %arg3: memref<128x128xf32, #tpu.memory_space<vmem>>, %arg4: memref<16x128xf32, #tpu.memory_space<vmem>>, %arg5: memref<1x128xf32, #tpu.memory_space<vmem>>, %arg6: memref<1376x128xf32, #tpu.memory_space<vmem>>, %arg7: memref<1376x128xf32, #tpu.memory_space<vmem>>) attributes {dimension_semantics = [#tpu.dimension_semantics<arbitrary>], iteration_bounds = array<i64: 8>, scalar_prefetch = 0 : i64, scratch_operands = 0 : i64, tpu.core_type = #tpu.core_type<tc>, window_params = [{transform_indices = @transform_0, window_bounds = array<i64: 1376, 128>}, {transform_indices = @transform_1, window_bounds = array<i64: 1376, 16>}, {pipeline_mode = #tpu.pipeline_mode<synchronous>, transform_indices = @transform_2, window_bounds = array<i64: 128, 128>}, {pipeline_mode = #tpu.pipeline_mode<synchronous>, transform_indices = @transform_3, window_bounds = array<i64: 16, 128>}, {pipeline_mode = #tpu.pipeline_mode<synchronous>, transform_indices = @transform_4, window_bounds = array<i64: 1, 128>}, {transform_indices = @transform_5, window_bounds = array<i64: 1376, 128>}, {transform_indices = @transform_6, window_bounds = array<i64: 1376, 128>}]} {
    %get3A = arith.constant 0 : index
    %get3A_0 = arith.constant 0 : index
    %get3A_1 = vector.load %arg2[%get3A, %get3A_0] : memref<1376x16xf32, #tpu.memory_space<vmem>>, vector<1376x16xf32>
    %get3A_2 = arith.constant 0 : index
    %get3A_3 = arith.constant 0 : index
    %get3A_4 = vector.load %arg4[%get3A_2, %get3A_3] : memref<16x128xf32, #tpu.memory_space<vmem>>, vector<16x128xf32>
    %dot_general3A = arith.constant dense<0.000000e+00> : vector<1376x128xf32>
    %dot_general3A_5 = tpu.matmul %get3A_1, %get3A_4, %dot_general3A {dimension_numbers = #tpu.dot_dimension_numbers<[1], [0], [0], [1], [0, 0, 1, 1], [], []>, precision = #tpu.contract_precision<fp32>, transpose_lhs_hint = false} : vector<1376x16xf32>, vector<16x128xf32>, vector<1376x128xf32> -> vector<1376x128xf32>
    %get3A_6 = arith.constant 0 : index
    %get3A_7 = arith.constant 0 : index
    %get3A_8 = vector.load %arg1[%get3A_6, %get3A_7] : memref<1376x128xf32, #tpu.memory_space<vmem>>, vector<1376x128xf32>
    %get3A_9 = arith.constant 0 : index
    %get3A_10 = arith.constant 0 : index
    %get3A_11 = vector.load %arg3[%get3A_9, %get3A_10] : memref<128x128xf32, #tpu.memory_space<vmem>>, vector<128x128xf32>
    %dot_general3A_12 = arith.constant dense<0.000000e+00> : vector<1376x128xf32>
    %dot_general3A_13 = tpu.matmul %get3A_8, %get3A_11, %dot_general3A_12 {dimension_numbers = #tpu.dot_dimension_numbers<[1], [0], [0], [1], [0, 0, 1, 1], [], []>, precision = #tpu.contract_precision<fp32>, transpose_lhs_hint = false} : vector<1376x128xf32>, vector<128x128xf32>, vector<1376x128xf32> -> vector<1376x128xf32>
    %add3A = arith.addf %dot_general3A_13, %dot_general3A_5 : vector<1376x128xf32>
    %get3A_14 = arith.constant 0 : index
    %get3A_15 = arith.constant 0 : index
    %get3A_16 = vector.load %arg5[%get3A_14, %get3A_15] : memref<1x128xf32, #tpu.memory_space<vmem>>, vector<1x128xf32>
    %add3A_17 = vector.broadcast %get3A_16 : vector<1x128xf32> to vector<1376x128xf32>
    %add3A_18 = arith.addf %add3A, %add3A_17 : vector<1376x128xf32>
    %swap3A = arith.constant 0 : index
    %swap3A_19 = arith.constant 0 : index
    %swap3A_20 = vector.load %arg6[%swap3A, %swap3A_19] : memref<1376x128xf32, #tpu.memory_space<vmem>>, vector<1376x128xf32>
    tpu.vector_store %arg6[%swap3A, %swap3A_19], %add3A_18 {strides = array<i32>} : memref<1376x128xf32, #tpu.memory_space<vmem>>, vector<1376x128xf32>,
    %swap3A_21 = arith.constant 0 : index
    %swap3A_22 = arith.constant 0 : index
    %swap3A_23 = vector.load %arg7[%swap3A_21, %swap3A_22] : memref<1376x128xf32, #tpu.memory_space<vmem>>, vector<1376x128xf32>
    tpu.vector_store %arg7[%swap3A_21, %swap3A_22], %dot_general3A_5 {strides = array<i32>} : memref<1376x128xf32, #tpu.memory_space<vmem>>, vector<1376x128xf32>,
    return
  }
  func.func @transform_0(%arg0: i32) -> (i32, i32) {
    %c0_i32 = arith.constant 0 : i32
    %c0_i32_0 = arith.constant 0 : i32
    return %arg0, %c0_i32 : i32, i32
  }
  func.func @transform_1(%arg0: i32) -> (i32, i32) {
    %c0_i32 = arith.constant 0 : i32
    %c0_i32_0 = arith.constant 0 : i32
    return %arg0, %c0_i32 : i32, i32
  }
  func.func @transform_2(%arg0: i32) -> (i32, i32) {
    %c0_i32 = arith.constant 0 : i32
    %c0_i32_0 = arith.constant 0 : i32
    %c0_i32_1 = arith.constant 0 : i32
    return %c0_i32, %c0_i32_0 : i32, i32
  }
  func.func @transform_3(%arg0: i32) -> (i32, i32) {
    %c0_i32 = arith.constant 0 : i32
    %c0_i32_0 = arith.constant 0 : i32
    %c0_i32_1 = arith.constant 0 : i32
    return %c0_i32, %c0_i32_0 : i32, i32
  }
  func.func @transform_4(%arg0: i32) -> (i32, i32) {
    %c0_i32 = arith.constant 0 : i32
    %c0_i32_0 = arith.constant 0 : i32
    %c0_i32_1 = arith.constant 0 : i32
    return %c0_i32, %c0_i32_0 : i32, i32
  }
  func.func @transform_5(%arg0: i32) -> (i32, i32) {
    %c0_i32 = arith.constant 0 : i32
    %c0_i32_0 = arith.constant 0 : i32
    return %arg0, %c0_i32 : i32, i32
  }
  func.func @transform_6(%arg0: i32) -> (i32, i32) {
    %c0_i32 = arith.constant 0 : i32
    %c0_i32_0 = arith.constant 0 : i32
    return %arg0, %c0_i32 : i32, i32
  }
}

module attributes {stable_mosaic.version = 14 : i64} {
  func.func @_binned_body(%arg0: i32, %arg1: memref<12384xi32, #tpu.memory_space<smem>>, %arg2: memref<11008x128xf32, #tpu.memory_space<vmem>>, %arg3: memref<11008x16xf32, #tpu.memory_space<vmem>>, %arg4: memref<8x128xf32, #tpu.memory_space<vmem>>, %arg5: memref<8x16xf32, #tpu.memory_space<vmem>>, %arg6: memref<128x128xf32, #tpu.memory_space<vmem>>, %arg7: memref<1x128xf32, #tpu.memory_space<vmem>>, %arg8: memref<8x128xf32, #tpu.memory_space<vmem>>) attributes {dimension_semantics = [#tpu.dimension_semantics<arbitrary>], iteration_bounds = array<i64: 1376>, scalar_prefetch = 1 : i64, scratch_operands = 0 : i64, tpu.core_type = #tpu.core_type<tc>, window_params = [{pipeline_mode = #tpu.pipeline_mode<synchronous>, transform_indices = @transform_0, window_bounds = array<i64: 11008, 128>}, {pipeline_mode = #tpu.pipeline_mode<synchronous>, transform_indices = @transform_1, window_bounds = array<i64: 11008, 16>}, {transform_indices = @transform_2, window_bounds = array<i64: 8, 128>}, {transform_indices = @transform_3, window_bounds = array<i64: 8, 16>}, {pipeline_mode = #tpu.pipeline_mode<synchronous>, transform_indices = @transform_4, window_bounds = array<i64: 128, 128>}, {pipeline_mode = #tpu.pipeline_mode<synchronous>, transform_indices = @transform_5, window_bounds = array<i64: 1, 128>}, {transform_indices = @transform_6, window_bounds = array<i64: 8, 128>}]} {
    %get3A = arith.constant 0 : index
    %get3A_0 = arith.constant 0 : index
    %get3A_1 = vector.load %arg5[%get3A, %get3A_0] : memref<8x16xf32, #tpu.memory_space<vmem>>, vector<8x16xf32>
    %mul3A = arith.constant 9 : i32
    %mul3A_2 = arith.muli %arg0, %mul3A : i32
    %add3A = arith.constant 0 : i32
    %add3A_3 = arith.addi %mul3A_2, %add3A : i32
    %get3A_4 = arith.index_cast %add3A_3 : i32 to index
    %get3A_5 = memref.load %arg1[%get3A_4] : memref<12384xi32, #tpu.memory_space<smem>>
    %multiple_of3A = tpu.assume_multiple %get3A_5, 8 : i32
    %get3A_6 = arith.index_cast %multiple_of3A : i32 to index
    %get3A_7 = arith.constant 0 : index
    %get3A_8 = vector.load %arg2[%get3A_6, %get3A_7] : memref<11008x128xf32, #tpu.memory_space<vmem>>, vector<64x128xf32>
    %get3A_9 = arith.index_cast %multiple_of3A : i32 to index
    %get3A_10 = arith.constant 0 : index
    %get3A_11 = vector.load %arg3[%get3A_9, %get3A_10] : memref<11008x16xf32, #tpu.memory_space<vmem>>, vector<64x16xf32>
    %mul3A_12 = arith.constant 9 : i32
    %mul3A_13 = arith.muli %arg0, %mul3A_12 : i32
    %add3A_14 = arith.constant 1 : i32
    %add3A_15 = arith.addi %mul3A_13, %add3A_14 : i32
    %get3A_16 = arith.index_cast %add3A_15 : i32 to index
    %get3A_17 = memref.load %arg1[%get3A_16] : memref<12384xi32, #tpu.memory_space<smem>>
    %multiple_of3A_18 = tpu.assume_multiple %get3A_17, 8 : i32
    %get3A_19 = arith.index_cast %multiple_of3A_18 : i32 to index
    %get3A_20 = arith.constant 0 : index
    %get3A_21 = vector.load %arg2[%get3A_19, %get3A_20] : memref<11008x128xf32, #tpu.memory_space<vmem>>, vector<64x128xf32>
    %get3A_22 = arith.index_cast %multiple_of3A_18 : i32 to index
    %get3A_23 = arith.constant 0 : index
    %get3A_24 = vector.load %arg3[%get3A_22, %get3A_23] : memref<11008x16xf32, #tpu.memory_space<vmem>>, vector<64x16xf32>
    %mul3A_25 = arith.constant 9 : i32
    %mul3A_26 = arith.muli %arg0, %mul3A_25 : i32
    %add3A_27 = arith.constant 2 : i32
    %add3A_28 = arith.addi %mul3A_26, %add3A_27 : i32
    %get3A_29 = arith.index_cast %add3A_28 : i32 to index
    %get3A_30 = memref.load %arg1[%get3A_29] : memref<12384xi32, #tpu.memory_space<smem>>
    %multiple_of3A_31 = tpu.assume_multiple %get3A_30, 8 : i32
    %get3A_32 = arith.index_cast %multiple_of3A_31 : i32 to index
    %get3A_33 = arith.constant 0 : index
    %get3A_34 = vector.load %arg2[%get3A_32, %get3A_33] : memref<11008x128xf32, #tpu.memory_space<vmem>>, vector<64x128xf32>
    %get3A_35 = arith.index_cast %multiple_of3A_31 : i32 to index
    %get3A_36 = arith.constant 0 : index
    %get3A_37 = vector.load %arg3[%get3A_35, %get3A_36] : memref<11008x16xf32, #tpu.memory_space<vmem>>, vector<64x16xf32>
    %mul3A_38 = arith.constant 9 : i32
    %mul3A_39 = arith.muli %arg0, %mul3A_38 : i32
    %add3A_40 = arith.constant 3 : i32
    %add3A_41 = arith.addi %mul3A_39, %add3A_40 : i32
    %get3A_42 = arith.index_cast %add3A_41 : i32 to index
    %get3A_43 = memref.load %arg1[%get3A_42] : memref<12384xi32, #tpu.memory_space<smem>>
    %multiple_of3A_44 = tpu.assume_multiple %get3A_43, 8 : i32
    %get3A_45 = arith.index_cast %multiple_of3A_44 : i32 to index
    %get3A_46 = arith.constant 0 : index
    %get3A_47 = vector.load %arg2[%get3A_45, %get3A_46] : memref<11008x128xf32, #tpu.memory_space<vmem>>, vector<64x128xf32>
    %get3A_48 = arith.index_cast %multiple_of3A_44 : i32 to index
    %get3A_49 = arith.constant 0 : index
    %get3A_50 = vector.load %arg3[%get3A_48, %get3A_49] : memref<11008x16xf32, #tpu.memory_space<vmem>>, vector<64x16xf32>
    %mul3A_51 = arith.constant 9 : i32
    %mul3A_52 = arith.muli %arg0, %mul3A_51 : i32
    %add3A_53 = arith.constant 4 : i32
    %add3A_54 = arith.addi %mul3A_52, %add3A_53 : i32
    %get3A_55 = arith.index_cast %add3A_54 : i32 to index
    %get3A_56 = memref.load %arg1[%get3A_55] : memref<12384xi32, #tpu.memory_space<smem>>
    %multiple_of3A_57 = tpu.assume_multiple %get3A_56, 8 : i32
    %get3A_58 = arith.index_cast %multiple_of3A_57 : i32 to index
    %get3A_59 = arith.constant 0 : index
    %get3A_60 = vector.load %arg2[%get3A_58, %get3A_59] : memref<11008x128xf32, #tpu.memory_space<vmem>>, vector<64x128xf32>
    %get3A_61 = arith.index_cast %multiple_of3A_57 : i32 to index
    %get3A_62 = arith.constant 0 : index
    %get3A_63 = vector.load %arg3[%get3A_61, %get3A_62] : memref<11008x16xf32, #tpu.memory_space<vmem>>, vector<64x16xf32>
    %mul3A_64 = arith.constant 9 : i32
    %mul3A_65 = arith.muli %arg0, %mul3A_64 : i32
    %add3A_66 = arith.constant 5 : i32
    %add3A_67 = arith.addi %mul3A_65, %add3A_66 : i32
    %get3A_68 = arith.index_cast %add3A_67 : i32 to index
    %get3A_69 = memref.load %arg1[%get3A_68] : memref<12384xi32, #tpu.memory_space<smem>>
    %multiple_of3A_70 = tpu.assume_multiple %get3A_69, 8 : i32
    %get3A_71 = arith.index_cast %multiple_of3A_70 : i32 to index
    %get3A_72 = arith.constant 0 : index
    %get3A_73 = vector.load %arg2[%get3A_71, %get3A_72] : memref<11008x128xf32, #tpu.memory_space<vmem>>, vector<64x128xf32>
    %get3A_74 = arith.index_cast %multiple_of3A_70 : i32 to index
    %get3A_75 = arith.constant 0 : index
    %get3A_76 = vector.load %arg3[%get3A_74, %get3A_75] : memref<11008x16xf32, #tpu.memory_space<vmem>>, vector<64x16xf32>
    %mul3A_77 = arith.constant 9 : i32
    %mul3A_78 = arith.muli %arg0, %mul3A_77 : i32
    %add3A_79 = arith.constant 6 : i32
    %add3A_80 = arith.addi %mul3A_78, %add3A_79 : i32
    %get3A_81 = arith.index_cast %add3A_80 : i32 to index
    %get3A_82 = memref.load %arg1[%get3A_81] : memref<12384xi32, #tpu.memory_space<smem>>
    %multiple_of3A_83 = tpu.assume_multiple %get3A_82, 8 : i32
    %get3A_84 = arith.index_cast %multiple_of3A_83 : i32 to index
    %get3A_85 = arith.constant 0 : index
    %get3A_86 = vector.load %arg2[%get3A_84, %get3A_85] : memref<11008x128xf32, #tpu.memory_space<vmem>>, vector<64x128xf32>
    %get3A_87 = arith.index_cast %multiple_of3A_83 : i32 to index
    %get3A_88 = arith.constant 0 : index
    %get3A_89 = vector.load %arg3[%get3A_87, %get3A_88] : memref<11008x16xf32, #tpu.memory_space<vmem>>, vector<64x16xf32>
    %mul3A_90 = arith.constant 9 : i32
    %mul3A_91 = arith.muli %arg0, %mul3A_90 : i32
    %add3A_92 = arith.constant 7 : i32
    %add3A_93 = arith.addi %mul3A_91, %add3A_92 : i32
    %get3A_94 = arith.index_cast %add3A_93 : i32 to index
    %get3A_95 = memref.load %arg1[%get3A_94] : memref<12384xi32, #tpu.memory_space<smem>>
    %multiple_of3A_96 = tpu.assume_multiple %get3A_95, 8 : i32
    %get3A_97 = arith.index_cast %multiple_of3A_96 : i32 to index
    %get3A_98 = arith.constant 0 : index
    %get3A_99 = vector.load %arg2[%get3A_97, %get3A_98] : memref<11008x128xf32, #tpu.memory_space<vmem>>, vector<64x128xf32>
    %get3A_100 = arith.index_cast %multiple_of3A_96 : i32 to index
    %get3A_101 = arith.constant 0 : index
    %get3A_102 = vector.load %arg3[%get3A_100, %get3A_101] : memref<11008x16xf32, #tpu.memory_space<vmem>>, vector<64x16xf32>
    %mul3A_103 = arith.constant 9 : i32
    %mul3A_104 = arith.muli %arg0, %mul3A_103 : i32
    %add3A_105 = arith.constant 8 : i32
    %add3A_106 = arith.addi %mul3A_104, %add3A_105 : i32
    %get3A_107 = arith.index_cast %add3A_106 : i32 to index
    %get3A_108 = memref.load %arg1[%get3A_107] : memref<12384xi32, #tpu.memory_space<smem>>
    %multiple_of3A_109 = tpu.assume_multiple %get3A_108, 8 : i32
    %get3A_110 = arith.index_cast %multiple_of3A_109 : i32 to index
    %get3A_111 = arith.constant 0 : index
    %get3A_112 = vector.load %arg2[%get3A_110, %get3A_111] : memref<11008x128xf32, #tpu.memory_space<vmem>>, vector<64x128xf32>
    %get3A_113 = arith.index_cast %multiple_of3A_109 : i32 to index
    %get3A_114 = arith.constant 0 : index
    %get3A_115 = vector.load %arg3[%get3A_113, %get3A_114] : memref<11008x16xf32, #tpu.memory_space<vmem>>, vector<64x16xf32>
    %concatenate3A = tpu.concatenate %get3A_8, %get3A_21, %get3A_34, %get3A_47, %get3A_60, %get3A_73, %get3A_86, %get3A_99, %get3A_112 in 0 : vector<64x128xf32>, vector<64x128xf32>, vector<64x128xf32>, vector<64x128xf32>, vector<64x128xf32>, vector<64x128xf32>, vector<64x128xf32>, vector<64x128xf32>, vector<64x128xf32> -> vector<576x128xf32>
    %concatenate3A_116 = tpu.concatenate %get3A_11, %get3A_24, %get3A_37, %get3A_50, %get3A_63, %get3A_76, %get3A_89, %get3A_102, %get3A_115 in 0 : vector<64x16xf32>, vector<64x16xf32>, vector<64x16xf32>, vector<64x16xf32>, vector<64x16xf32>, vector<64x16xf32>, vector<64x16xf32>, vector<64x16xf32>, vector<64x16xf32> -> vector<576x16xf32>
    %transpose3A = tpu.transpose %concatenate3A_116, [1, 0] : vector<576x16xf32> -> vector<16x576xf32>
    %broadcast_in_dim3A = arith.constant 0.000000e+00 : f32
    %broadcast_in_dim3A_117 = vector.broadcast %broadcast_in_dim3A : f32 to vector<8x576xf32>
    %broadcast_in_dim3A_118 = arith.constant 0.000000e+00 : f32
    %broadcast_in_dim3A_119 = vector.broadcast %broadcast_in_dim3A_118 : f32 to vector<8x576xf32>
    %slice3A = vector.extract_strided_slice %transpose3A {offsets = [0, 0], sizes = [1, 576], strides = [1, 1]} : vector<16x576xf32> to vector<1x576xf32>
    %slice3A_120 = vector.extract_strided_slice %get3A_1 {offsets = [0, 0], sizes = [8, 1], strides = [1, 1]} : vector<8x16xf32> to vector<8x1xf32>
    %neg3A = arith.constant 0.000000e+00 : f32
    %neg3A_121 = vector.broadcast %neg3A : f32 to vector<8x1xf32>
    %neg3A_122 = arith.subf %neg3A_121, %slice3A_120 : vector<8x1xf32>
    %add3A_123 = vector.broadcast %slice3A : vector<1x576xf32> to vector<8x576xf32>
    %add3A_124 = vector.broadcast %neg3A_122 : vector<8x1xf32> to vector<8x576xf32>
    %add3A_125 = arith.addf %add3A_123, %add3A_124 : vector<8x576xf32>
    %sub3A = vector.broadcast %slice3A : vector<1x576xf32> to vector<8x576xf32>
    %sub3A_126 = arith.subf %add3A_125, %sub3A : vector<8x576xf32>
    %sub3A_127 = arith.subf %add3A_125, %sub3A_126 : vector<8x576xf32>
    %sub3A_128 = vector.broadcast %slice3A : vector<1x576xf32> to vector<8x576xf32>
    %sub3A_129 = arith.subf %sub3A_128, %sub3A_127 : vector<8x576xf32>
    %sub3A_130 = vector.broadcast %neg3A_122 : vector<8x1xf32> to vector<8x576xf32>
    %sub3A_131 = arith.subf %sub3A_130, %sub3A_126 : vector<8x576xf32>
    %add3A_132 = arith.addf %sub3A_129, %sub3A_131 : vector<8x576xf32>
    %mul3A_133 = arith.mulf %add3A_125, %add3A_125 : vector<8x576xf32>
    %mul3A_134 = arith.constant 4.097000e+03 : f32
    %mul3A_135 = vector.broadcast %mul3A_134 : f32 to vector<8x576xf32>
    %mul3A_136 = arith.mulf %mul3A_135, %add3A_125 : vector<8x576xf32>
    %sub3A_137 = arith.subf %mul3A_136, %add3A_125 : vector<8x576xf32>
    %sub3A_138 = arith.subf %mul3A_136, %sub3A_137 : vector<8x576xf32>
    %sub3A_139 = arith.subf %add3A_125, %sub3A_138 : vector<8x576xf32>
    %mul3A_140 = arith.constant 4.097000e+03 : f32
    %mul3A_141 = vector.broadcast %mul3A_140 : f32 to vector<8x576xf32>
    %mul3A_142 = arith.mulf %mul3A_141, %add3A_125 : vector<8x576xf32>
    %sub3A_143 = arith.subf %mul3A_142, %add3A_125 : vector<8x576xf32>
    %sub3A_144 = arith.subf %mul3A_142, %sub3A_143 : vector<8x576xf32>
    %sub3A_145 = arith.subf %add3A_125, %sub3A_144 : vector<8x576xf32>
    %mul3A_146 = arith.mulf %sub3A_138, %sub3A_144 : vector<8x576xf32>
    %sub3A_147 = arith.subf %mul3A_146, %mul3A_133 : vector<8x576xf32>
    %mul3A_148 = arith.mulf %sub3A_138, %sub3A_145 : vector<8x576xf32>
    %add3A_149 = arith.addf %sub3A_147, %mul3A_148 : vector<8x576xf32>
    %mul3A_150 = arith.mulf %sub3A_139, %sub3A_144 : vector<8x576xf32>
    %add3A_151 = arith.addf %add3A_149, %mul3A_150 : vector<8x576xf32>
    %mul3A_152 = arith.mulf %sub3A_139, %sub3A_145 : vector<8x576xf32>
    %add3A_153 = arith.addf %add3A_151, %mul3A_152 : vector<8x576xf32>
    %add3A_154 = arith.addf %add3A_125, %add3A_125 : vector<8x576xf32>
    %mul3A_155 = arith.mulf %add3A_132, %add3A_154 : vector<8x576xf32>
    %add3A_156 = arith.addf %add3A_153, %mul3A_155 : vector<8x576xf32>
    %mul3A_157 = arith.mulf %add3A_132, %add3A_132 : vector<8x576xf32>
    %add3A_158 = arith.addf %add3A_156, %mul3A_157 : vector<8x576xf32>
    %add3A_159 = arith.addf %broadcast_in_dim3A_117, %mul3A_133 : vector<8x576xf32>
    %sub3A_160 = arith.subf %add3A_159, %broadcast_in_dim3A_117 : vector<8x576xf32>
    %sub3A_161 = arith.subf %add3A_159, %sub3A_160 : vector<8x576xf32>
    %sub3A_162 = arith.subf %broadcast_in_dim3A_117, %sub3A_161 : vector<8x576xf32>
    %sub3A_163 = arith.subf %mul3A_133, %sub3A_160 : vector<8x576xf32>
    %add3A_164 = arith.addf %sub3A_162, %sub3A_163 : vector<8x576xf32>
    %add3A_165 = arith.addf %broadcast_in_dim3A_119, %add3A_158 : vector<8x576xf32>
    %add3A_166 = arith.addf %add3A_165, %add3A_164 : vector<8x576xf32>
    %slice3A_167 = vector.extract_strided_slice %transpose3A {offsets = [1, 0], sizes = [1, 576], strides = [1, 1]} : vector<16x576xf32> to vector<1x576xf32>
    %slice3A_168 = vector.extract_strided_slice %get3A_1 {offsets = [0, 1], sizes = [8, 1], strides = [1, 1]} : vector<8x16xf32> to vector<8x1xf32>
    %neg3A_169 = arith.constant 0.000000e+00 : f32
    %neg3A_170 = vector.broadcast %neg3A_169 : f32 to vector<8x1xf32>
    %neg3A_171 = arith.subf %neg3A_170, %slice3A_168 : vector<8x1xf32>
    %add3A_172 = vector.broadcast %slice3A_167 : vector<1x576xf32> to vector<8x576xf32>
    %add3A_173 = vector.broadcast %neg3A_171 : vector<8x1xf32> to vector<8x576xf32>
    %add3A_174 = arith.addf %add3A_172, %add3A_173 : vector<8x576xf32>
    %sub3A_175 = vector.broadcast %slice3A_167 : vector<1x576xf32> to vector<8x576xf32>
    %sub3A_176 = arith.subf %add3A_174, %sub3A_175 : vector<8x576xf32>
    %sub3A_177 = arith.subf %add3A_174, %sub3A_176 : vector<8x576xf32>
    %sub3A_178 = vector.broadcast %slice3A_167 : vector<1x576xf32> to vector<8x576xf32>
    %sub3A_179 = arith.subf %sub3A_178, %sub3A_177 : vector<8x576xf32>
    %sub3A_180 = vector.broadcast %neg3A_171 : vector<8x1xf32> to vector<8x576xf32>
    %sub3A_181 = arith.subf %sub3A_180, %sub3A_176 : vector<8x576xf32>
    %add3A_182 = arith.addf %sub3A_179, %sub3A_181 : vector<8x576xf32>
    %mul3A_183 = arith.mulf %add3A_174, %add3A_174 : vector<8x576xf32>
    %mul3A_184 = arith.constant 4.097000e+03 : f32
    %mul3A_185 = vector.broadcast %mul3A_184 : f32 to vector<8x576xf32>
    %mul3A_186 = arith.mulf %mul3A_185, %add3A_174 : vector<8x576xf32>
    %sub3A_187 = arith.subf %mul3A_186, %add3A_174 : vector<8x576xf32>
    %sub3A_188 = arith.subf %mul3A_186, %sub3A_187 : vector<8x576xf32>
    %sub3A_189 = arith.subf %add3A_174, %sub3A_188 : vector<8x576xf32>
    %mul3A_190 = arith.constant 4.097000e+03 : f32
    %mul3A_191 = vector.broadcast %mul3A_190 : f32 to vector<8x576xf32>
    %mul3A_192 = arith.mulf %mul3A_191, %add3A_174 : vector<8x576xf32>
    %sub3A_193 = arith.subf %mul3A_192, %add3A_174 : vector<8x576xf32>
    %sub3A_194 = arith.subf %mul3A_192, %sub3A_193 : vector<8x576xf32>
    %sub3A_195 = arith.subf %add3A_174, %sub3A_194 : vector<8x576xf32>
    %mul3A_196 = arith.mulf %sub3A_188, %sub3A_194 : vector<8x576xf32>
    %sub3A_197 = arith.subf %mul3A_196, %mul3A_183 : vector<8x576xf32>
    %mul3A_198 = arith.mulf %sub3A_188, %sub3A_195 : vector<8x576xf32>
    %add3A_199 = arith.addf %sub3A_197, %mul3A_198 : vector<8x576xf32>
    %mul3A_200 = arith.mulf %sub3A_189, %sub3A_194 : vector<8x576xf32>
    %add3A_201 = arith.addf %add3A_199, %mul3A_200 : vector<8x576xf32>
    %mul3A_202 = arith.mulf %sub3A_189, %sub3A_195 : vector<8x576xf32>
    %add3A_203 = arith.addf %add3A_201, %mul3A_202 : vector<8x576xf32>
    %add3A_204 = arith.addf %add3A_174, %add3A_174 : vector<8x576xf32>
    %mul3A_205 = arith.mulf %add3A_182, %add3A_204 : vector<8x576xf32>
    %add3A_206 = arith.addf %add3A_203, %mul3A_205 : vector<8x576xf32>
    %mul3A_207 = arith.mulf %add3A_182, %add3A_182 : vector<8x576xf32>
    %add3A_208 = arith.addf %add3A_206, %mul3A_207 : vector<8x576xf32>
    %add3A_209 = arith.addf %add3A_159, %mul3A_183 : vector<8x576xf32>
    %sub3A_210 = arith.subf %add3A_209, %add3A_159 : vector<8x576xf32>
    %sub3A_211 = arith.subf %add3A_209, %sub3A_210 : vector<8x576xf32>
    %sub3A_212 = arith.subf %add3A_159, %sub3A_211 : vector<8x576xf32>
    %sub3A_213 = arith.subf %mul3A_183, %sub3A_210 : vector<8x576xf32>
    %add3A_214 = arith.addf %sub3A_212, %sub3A_213 : vector<8x576xf32>
    %add3A_215 = arith.addf %add3A_166, %add3A_208 : vector<8x576xf32>
    %add3A_216 = arith.addf %add3A_215, %add3A_214 : vector<8x576xf32>
    %slice3A_217 = vector.extract_strided_slice %transpose3A {offsets = [2, 0], sizes = [1, 576], strides = [1, 1]} : vector<16x576xf32> to vector<1x576xf32>
    %slice3A_218 = vector.extract_strided_slice %get3A_1 {offsets = [0, 2], sizes = [8, 1], strides = [1, 1]} : vector<8x16xf32> to vector<8x1xf32>
    %neg3A_219 = arith.constant 0.000000e+00 : f32
    %neg3A_220 = vector.broadcast %neg3A_219 : f32 to vector<8x1xf32>
    %neg3A_221 = arith.subf %neg3A_220, %slice3A_218 : vector<8x1xf32>
    %add3A_222 = vector.broadcast %slice3A_217 : vector<1x576xf32> to vector<8x576xf32>
    %add3A_223 = vector.broadcast %neg3A_221 : vector<8x1xf32> to vector<8x576xf32>
    %add3A_224 = arith.addf %add3A_222, %add3A_223 : vector<8x576xf32>
    %sub3A_225 = vector.broadcast %slice3A_217 : vector<1x576xf32> to vector<8x576xf32>
    %sub3A_226 = arith.subf %add3A_224, %sub3A_225 : vector<8x576xf32>
    %sub3A_227 = arith.subf %add3A_224, %sub3A_226 : vector<8x576xf32>
    %sub3A_228 = vector.broadcast %slice3A_217 : vector<1x576xf32> to vector<8x576xf32>
    %sub3A_229 = arith.subf %sub3A_228, %sub3A_227 : vector<8x576xf32>
    %sub3A_230 = vector.broadcast %neg3A_221 : vector<8x1xf32> to vector<8x576xf32>
    %sub3A_231 = arith.subf %sub3A_230, %sub3A_226 : vector<8x576xf32>
    %add3A_232 = arith.addf %sub3A_229, %sub3A_231 : vector<8x576xf32>
    %mul3A_233 = arith.mulf %add3A_224, %add3A_224 : vector<8x576xf32>
    %mul3A_234 = arith.constant 4.097000e+03 : f32
    %mul3A_235 = vector.broadcast %mul3A_234 : f32 to vector<8x576xf32>
    %mul3A_236 = arith.mulf %mul3A_235, %add3A_224 : vector<8x576xf32>
    %sub3A_237 = arith.subf %mul3A_236, %add3A_224 : vector<8x576xf32>
    %sub3A_238 = arith.subf %mul3A_236, %sub3A_237 : vector<8x576xf32>
    %sub3A_239 = arith.subf %add3A_224, %sub3A_238 : vector<8x576xf32>
    %mul3A_240 = arith.constant 4.097000e+03 : f32
    %mul3A_241 = vector.broadcast %mul3A_240 : f32 to vector<8x576xf32>
    %mul3A_242 = arith.mulf %mul3A_241, %add3A_224 : vector<8x576xf32>
    %sub3A_243 = arith.subf %mul3A_242, %add3A_224 : vector<8x576xf32>
    %sub3A_244 = arith.subf %mul3A_242, %sub3A_243 : vector<8x576xf32>
    %sub3A_245 = arith.subf %add3A_224, %sub3A_244 : vector<8x576xf32>
    %mul3A_246 = arith.mulf %sub3A_238, %sub3A_244 : vector<8x576xf32>
    %sub3A_247 = arith.subf %mul3A_246, %mul3A_233 : vector<8x576xf32>
    %mul3A_248 = arith.mulf %sub3A_238, %sub3A_245 : vector<8x576xf32>
    %add3A_249 = arith.addf %sub3A_247, %mul3A_248 : vector<8x576xf32>
    %mul3A_250 = arith.mulf %sub3A_239, %sub3A_244 : vector<8x576xf32>
    %add3A_251 = arith.addf %add3A_249, %mul3A_250 : vector<8x576xf32>
    %mul3A_252 = arith.mulf %sub3A_239, %sub3A_245 : vector<8x576xf32>
    %add3A_253 = arith.addf %add3A_251, %mul3A_252 : vector<8x576xf32>
    %add3A_254 = arith.addf %add3A_224, %add3A_224 : vector<8x576xf32>
    %mul3A_255 = arith.mulf %add3A_232, %add3A_254 : vector<8x576xf32>
    %add3A_256 = arith.addf %add3A_253, %mul3A_255 : vector<8x576xf32>
    %mul3A_257 = arith.mulf %add3A_232, %add3A_232 : vector<8x576xf32>
    %add3A_258 = arith.addf %add3A_256, %mul3A_257 : vector<8x576xf32>
    %add3A_259 = arith.addf %add3A_209, %mul3A_233 : vector<8x576xf32>
    %sub3A_260 = arith.subf %add3A_259, %add3A_209 : vector<8x576xf32>
    %sub3A_261 = arith.subf %add3A_259, %sub3A_260 : vector<8x576xf32>
    %sub3A_262 = arith.subf %add3A_209, %sub3A_261 : vector<8x576xf32>
    %sub3A_263 = arith.subf %mul3A_233, %sub3A_260 : vector<8x576xf32>
    %add3A_264 = arith.addf %sub3A_262, %sub3A_263 : vector<8x576xf32>
    %add3A_265 = arith.addf %add3A_216, %add3A_258 : vector<8x576xf32>
    %add3A_266 = arith.addf %add3A_265, %add3A_264 : vector<8x576xf32>
    %sub3A_267 = arith.constant 6.400000e-03 : f32
    %sub3A_268 = vector.broadcast %sub3A_267 : f32 to vector<8x576xf32>
    %sub3A_269 = arith.subf %add3A_259, %sub3A_268 : vector<8x576xf32>
    %sub3A_270 = arith.constant 1.61677602E-10 : f32
    %sub3A_271 = vector.broadcast %sub3A_270 : f32 to vector<8x576xf32>
    %sub3A_272 = arith.subf %add3A_266, %sub3A_271 : vector<8x576xf32>
    %add3A_273 = arith.addf %sub3A_269, %sub3A_272 : vector<8x576xf32>
    %le3A = arith.constant 0.000000e+00 : f32
    %le3A_274 = vector.broadcast %le3A : f32 to vector<8x576xf32>
    %le3A_275 = arith.cmpf ole, %add3A_273, %le3A_274 : vector<8x576xf32>
    %jit3A = arith.constant 0.000000e+00 : f32
    %jit3A_276 = arith.constant -1.000000e+30 : f32
    %broadcast_in_dim3A_277 = vector.broadcast %jit3A : f32 to vector<8x576xf32>
    %broadcast_in_dim3A_278 = vector.broadcast %jit3A_276 : f32 to vector<8x576xf32>
    %select_n3A = arith.select %le3A_275, %broadcast_in_dim3A_277, %broadcast_in_dim3A_278 : vector<8x576xi1>, vector<8x576xf32>
    %broadcast_in_dim3A_279 = vector.shape_cast %concatenate3A : vector<576x128xf32> to vector<1x576x128xf32>
    %get3A_280 = arith.constant 0 : index
    %get3A_281 = arith.constant 0 : index
    %get3A_282 = vector.load %arg4[%get3A_280, %get3A_281] : memref<8x128xf32, #tpu.memory_space<vmem>>, vector<8x128xf32>
    %broadcast_in_dim3A_283 = vector.shape_cast %get3A_282 : vector<8x128xf32> to vector<8x1x128xf32>
    %sub3A_284 = vector.broadcast %broadcast_in_dim3A_279 : vector<1x576x128xf32> to vector<8x576x128xf32>
    %sub3A_285 = vector.broadcast %broadcast_in_dim3A_283 : vector<8x1x128xf32> to vector<8x576x128xf32>
    %sub3A_286 = arith.subf %sub3A_284, %sub3A_285 : vector<8x576x128xf32>
    %max3A = arith.constant 0.000000e+00 : f32
    %max3A_287 = vector.broadcast %max3A : f32 to vector<8x576x128xf32>
    %max3A_288 = arith.maximumf %sub3A_286, %max3A_287 : vector<8x576x128xf32>
    %reshape3A = vector.shape_cast %max3A_288 : vector<8x576x128xf32> to vector<4608x128xf32>
    %get3A_289 = arith.constant 0 : index
    %get3A_290 = arith.constant 0 : index
    %get3A_291 = vector.load %arg6[%get3A_289, %get3A_290] : memref<128x128xf32, #tpu.memory_space<vmem>>, vector<128x128xf32>
    %dot_general3A = arith.constant dense<0.000000e+00> : vector<4608x128xf32>
    %dot_general3A_292 = tpu.matmul %reshape3A, %get3A_291, %dot_general3A {dimension_numbers = #tpu.dot_dimension_numbers<[1], [0], [0], [1], [0, 0, 1, 1], [], []>, transpose_lhs_hint = false} : vector<4608x128xf32>, vector<128x128xf32>, vector<4608x128xf32> -> vector<4608x128xf32>
    %reshape3A_293 = vector.shape_cast %dot_general3A_292 : vector<4608x128xf32> to vector<8x576x128xf32>
    %broadcast_in_dim3A_294 = vector.shape_cast %select_n3A : vector<8x576xf32> to vector<8x576x1xf32>
    %add3A_295 = vector.broadcast %broadcast_in_dim3A_294 : vector<8x576x1xf32> to vector<8x576x128xf32>
    %add3A_296 = arith.addf %reshape3A_293, %add3A_295 : vector<8x576x128xf32>
    %reduce_max3A = arith.constant dense<0xFF800000> : vector<8x128xf32>
    %reduce_max3A_297 = vector.multi_reduction <maximumf>, %add3A_296, %reduce_max3A [1] : vector<8x576x128xf32> to vector<8x128xf32>
    %get3A_298 = arith.constant 0 : index
    %get3A_299 = arith.constant 0 : index
    %get3A_300 = vector.load %arg7[%get3A_298, %get3A_299] : memref<1x128xf32, #tpu.memory_space<vmem>>, vector<1x128xf32>
    %add3A_301 = vector.broadcast %get3A_300 : vector<1x128xf32> to vector<8x128xf32>
    %add3A_302 = arith.addf %reduce_max3A_297, %add3A_301 : vector<8x128xf32>
    %swap3A = arith.constant 0 : index
    %swap3A_303 = arith.constant 0 : index
    %swap3A_304 = vector.load %arg8[%swap3A, %swap3A_303] : memref<8x128xf32, #tpu.memory_space<vmem>>, vector<8x128xf32>
    tpu.vector_store %arg8[%swap3A, %swap3A_303], %add3A_302 {strides = array<i32>} : memref<8x128xf32, #tpu.memory_space<vmem>>, vector<8x128xf32>,
    return
  }
  func.func @transform_0(%arg0: i32, %arg1: memref<12384xi32, #tpu.memory_space<smem>>) -> (i32, i32) {
    %c0_i32 = arith.constant 0 : i32
    %c0_i32_0 = arith.constant 0 : i32
    %c0_i32_1 = arith.constant 0 : i32
    return %c0_i32, %c0_i32_0 : i32, i32
  }
  func.func @transform_1(%arg0: i32, %arg1: memref<12384xi32, #tpu.memory_space<smem>>) -> (i32, i32) {
    %c0_i32 = arith.constant 0 : i32
    %c0_i32_0 = arith.constant 0 : i32
    %c0_i32_1 = arith.constant 0 : i32
    return %c0_i32, %c0_i32_0 : i32, i32
  }
  func.func @transform_2(%arg0: i32, %arg1: memref<12384xi32, #tpu.memory_space<smem>>) -> (i32, i32) {
    %c0_i32 = arith.constant 0 : i32
    %c0_i32_0 = arith.constant 0 : i32
    return %arg0, %c0_i32 : i32, i32
  }
  func.func @transform_3(%arg0: i32, %arg1: memref<12384xi32, #tpu.memory_space<smem>>) -> (i32, i32) {
    %c0_i32 = arith.constant 0 : i32
    %c0_i32_0 = arith.constant 0 : i32
    return %arg0, %c0_i32 : i32, i32
  }
  func.func @transform_4(%arg0: i32, %arg1: memref<12384xi32, #tpu.memory_space<smem>>) -> (i32, i32) {
    %c0_i32 = arith.constant 0 : i32
    %c0_i32_0 = arith.constant 0 : i32
    %c0_i32_1 = arith.constant 0 : i32
    return %c0_i32, %c0_i32_0 : i32, i32
  }
  func.func @transform_5(%arg0: i32, %arg1: memref<12384xi32, #tpu.memory_space<smem>>) -> (i32, i32) {
    %c0_i32 = arith.constant 0 : i32
    %c0_i32_0 = arith.constant 0 : i32
    %c0_i32_1 = arith.constant 0 : i32
    return %c0_i32, %c0_i32_0 : i32, i32
  }
  func.func @transform_6(%arg0: i32, %arg1: memref<12384xi32, #tpu.memory_space<smem>>) -> (i32, i32) {
    %c0_i32 = arith.constant 0 : i32
    %c0_i32_0 = arith.constant 0 : i32
    return %arg0, %c0_i32 : i32, i32
  }
}

</mosaic_0001>

<sc_bundles>
// kernel: gather_offload_async_start
scs
__scs_entry_jumppad:
0x0: {  	(pc) =	sbr.rel $0x88, $3  }
0x1: {  	(tag) =	ssettag $0x0;
	lr =	simm.s32 $0x1  }
0x2: {  	[smem:$0x3F9B] =	sst lr;
	_ =	strace $0xD0000000  }
0x3: {  	_ = 	snop  }
0x4: {  	_ = 	snop  }
0x5: {  	_ = 	snop  }
0x6: {  	_ = 	snop  }
0x7: {  	_ = 	snop  }
__scs_overlays_trampoline_lowered:
0x8: {  	[smem:$0x3FAA] =	sst s0  }
0x9: {  	[smem:$0x3FAB] =	sst s1  }
0xa: {  	[smem:$0x3FAC] =	sst s2  }
0xb: {  	[smem:$0x3FAD] =	sst s3  }
0xc: {  	[smem:$0x3FAE] =	sst s4  }
0xd: {  	[smem:$0x3FAF] =	sst s5  }
0xe: {  	[smem:$0x3FB0] =	sst s6  }
0xf: {  	[smem:$0x3FB1] =	sst s7  }
0x10: {  	[smem:$0x3FB2] =	sst s8  }
0x11: {  	[smem:$0x3FB3] =	sst s9;
	s0 =	simm.s32 @!p0 $0x0  }
0x12: {  	s1 =	sld [smem:$0x3F99];
	s0 =	simm.s32 @p0 $0x1  }
0x13: {  	[smem:$0x3FB4] =	sst s0;
	s0 =	simm.s32 @!p1 $0x0  }
0x14: {  	s2 =	sld [smem:$0x3F98];
	s0 =	simm.s32 @p1 $0x1  }
0x15: {  	[smem:$0x3FB5] =	sst s0;
	s0 =	simm.s32 @!p2 $0x0  }
0x16: {  	s3 =	sld [smem:$0x3FDB];
	s0 =	simm.s32 @p2 $0x1  }
0x17: {  	s4 =	simm.s32 $0x1BF5;
	[smem:$0x3FB7] =	sst s0  }
0x18: {  	s0 =	sld [smem:$0x3F9A];
	_ =	swait.ge [sflag:s4], $0x0  }
0x19: {  	s7 =	sld [smem:$0x3F9B]  }
0x1a: {  	s8 =	sadd.s32 $0xFFFFE003, lr  }
0x1b: {  	s9 =	sadd.s32 $0xFFFFFEF7, lr;
	s5 =	simm.s32 $0xFFFFFFFF;
	p2 =	slt.u32 s8, $0xFFFFF086  }
0x1c: {  	p1 =	slt.u32 s9, $0xF7A;
	s5 =	simm.s32 @!p2 $0x0  }
0x1d: {  	s5 =	simm.s32 @p1 $0x1;
	p0 =	seq.s32 s7, s2  }
0x1e: {  	s7 =	smul.u32 @!p0 $0xF7A, s2;
	p2 =	seq.s32 @!p0 s5, $0x0  }
0x1f: {  	s9 =	smul.u32 $0xF7A, s1;
	s8 =	simm.s32 @!p0 $0x1BF5;
	p2 =	por !p2, p0  }
0x20: {  	[sflag:s8] =	ssyncset.s32 @!p0 $0xFFFFF086;
	s6 =	sadd.s32 @!p0 s3, s7;
	s7 =	simm.s32 @!p0 $0x108  }
0x21: {  	s3 =	sadd.s32 s3, s9;
	s6 =	sadd.s32 @!p0 $0x88, s6;
	s7 =	simm.s32 @p2 $0x1082  }
0x22: {  	[simem:s7], [sflag:s8] =	dma.local @!p0 [hbm:s6], $0xF7A  }
0x23: {  	s9 =	sor.u32 $0xD0000000, s2;
	s6 =	simm.s32 $0x108;
	_ =	swait.ge @!p0 [sflag:s8], $0x0  }
0x24: {  	s3 =	sadd.s32 $0x88, s3;
	s6 =	simm.s32 @!p1 $0x1082;
	[sflag:s4] =	ssyncset.s32 $0xFFFFF086  }
0x25: {  	[simem:s6], [sflag:s4] =	dma.local [hbm:s3], $0xF7A  }
0x26: {  	[smem:$0x3F9B] =	sst s1;
	(tag) =	ssettag s2;
	_ =	strace s9  }
0x27: {  	s1 =	sld [smem:$0x3FAB]  }
0x28: {  	s2 =	sld [smem:$0x3FAC]  }
0x29: {  	s4 =	sld [smem:$0x3FAE]  }
0x2a: {  	p0 =	seq.s32 s5, $0x0;
	s5 =	sld [smem:$0x3FAF]  }
0x2b: {  	s6 =	sld [smem:$0x3FB0]  }
0x2c: {  	s7 =	sld [smem:$0x3FB1]  }
0x2d: {  	s3 =	simm.s32 $0x108;
	s8 =	sld [smem:$0x3FB2]  }
0x2e: {  	s3 =	simm.s32 @!p0 $0x1082;
	s9 =	sld [smem:$0x3FB3]  }
0x2f: {  	lr =	sadd.s32 s0, s3;
	s0 =	sld [smem:$0x3FAA]  }
0x30: {  	s3 =	sld [smem:$0x3FAD]  }
0x31: {  	[smem:$0x3FB6] =	sst s10  }
0x32: {  	s10 =	sld [smem:$0x3FB4];
	_ =	sdelay $0x3  }
0x33: {  	p0 =	seq.s32 s10, $0x1;
	s10 =	sld [smem:$0x3FB6];
	_ =	sdelay $0x3  }
0x34: {  	[smem:$0x3FB6] =	sst s10  }
0x35: {  	s10 =	sld [smem:$0x3FB5];
	_ =	sdelay $0x3  }
0x36: {  	p1 =	seq.s32 s10, $0x1;
	s10 =	sld [smem:$0x3FB6];
	_ =	sdelay $0x3  }
0x37: {  	[smem:$0x3FB6] =	sst s10  }
0x38: {  	s10 =	sld [smem:$0x3FB7]  }
0x39: {  	_ = 	snop;
	(pc) =	sbr.ind lr, $3  }
0x3a: {  	_ = 	snop  }
0x3b: {  	_ = 	snop  }
0x3c: {  	p2 =	seq.s32 s10, $0x1;
	s10 =	sld [smem:$0x3FB6]  }
0x3d: {  	_ =	shalt  }
0x3e: {  	_ =	shalt  }
0x3f: {  	_ =	shalt  }
0x40: {  	_ =	shalt  }
0x41: {  	_ =	shalt  }
0x42: {  	_ =	shalt  }
0x43: {  	_ =	shalt  }
0x44: {  	_ =	shalt  }
0x45: {  	_ =	shalt  }
0x46: {  	_ =	shalt  }
0x47: {  	_ =	shalt  }
0x48: {  	_ =	shalt  }
0x49: {  	_ =	shalt  }
0x4a: {  	_ =	shalt  }
0x4b: {  	_ =	shalt  }
0x4c: {  	_ =	shalt  }
0x4d: {  	_ =	shalt  }
0x4e: {  	_ =	shalt  }
0x4f: {  	_ =	shalt  }
0x50: {  	_ =	shalt  }
0x51: {  	_ =	shalt  }
0x52: {  	_ =	shalt  }
0x53: {  	_ =	shalt  }
0x54: {  	_ =	shalt  }
0x55: {  	_ =	shalt  }
0x56: {  	_ =	shalt  }
0x57: {  	_ =	shalt  }
0x58: {  	_ =	shalt  }
0x59: {  	_ =	shalt  }
0x5a: {  	_ =	shalt  }
0x5b: {  	_ =	shalt  }
0x5c: {  	_ =	shalt  }
0x5d: {  	_ =	shalt  }
0x5e: {  	_ =	shalt  }
0x5f: {  	_ =	shalt  }
0x60: {  	_ =	shalt  }
0x61: {  	_ =	shalt  }
0x62: {  	_ =	shalt  }
0x63: {  	_ =	shalt  }
0x64: {  	_ =	shalt  }
0x65: {  	_ =	shalt  }
0x66: {  	_ =	shalt  }
0x67: {  	_ =	shalt  }
0x68: {  	_ =	shalt  }
0x69: {  	_ =	shalt  }
0x6a: {  	_ =	shalt  }
0x6b: {  	_ =	shalt  }
0x6c: {  	_ =	shalt  }
0x6d: {  	_ =	shalt  }
0x6e: {  	_ =	shalt  }
0x6f: {  	_ =	shalt  }
0x70: {  	_ =	shalt  }
0x71: {  	_ =	shalt  }
0x72: {  	_ =	shalt  }
0x73: {  	_ =	shalt  }
0x74: {  	_ =	shalt  }
0x75: {  	_ =	shalt  }
0x76: {  	_ =	shalt  }
0x77: {  	_ =	shalt  }
0x78: {  	_ =	shalt  }
0x79: {  	_ =	shalt  }
0x7a: {  	_ =	shalt  }
0x7b: {  	_ =	shalt  }
0x7c: {  	_ =	shalt  }
0x7d: {  	_ =	shalt  }
0x7e: {  	_ =	shalt  }
0x7f: {  	_ =	shalt  }
0x80: {  	_ =	shalt  }
0x81: {  	_ =	shalt  }
0x82: {  	_ =	shalt  }
0x83: {  	_ =	shalt  }
0x84: {  	_ =	shalt  }
0x85: {  	_ =	shalt  }
0x86: {  	_ =	shalt  }
0x87: {  	_ =	shalt  }
.Lfunc_end0:
.L_simem_size_0:
called_computation.1_lowered:
.L_overlay_start_0:
0x88: {  	s2 =	sld [smem:$0x3FD9]  }
0x89: {  	s3 =	sld [smem:$0x3FFE];
	_ =	sdelay $0x1  }
0x8a: {  	s1 =	srdreg.scid  }
0x8b: {  	s0 =	sand.u32 $0x1, s1  }
0x8c: {  	s16 =	sshll.u32 s0, $0xA;
	s2 =	sadd.s32 s3, s2  }
0x8d: {  	s2 =	sadd.s32 s2, s16  }
0x8e: {  	[smem:$0x3FC2] =	sst s2  }
0x8f: {  	_ = 	snop  }
0x90: {  	(tm) =	ssettm $0x1  }
0x91: {  	s17 =	sld [smem:$0x3FFB];
	_ =	sdelay $0x3  }
0x92: {  	_ =	strace s17  }
0x93: {  	s2 =	sld [smem:$0x3FFC];
	_ =	sdelay $0x3  }
0x94: {  	_ =	strace s2  }
0x95: {  	s2 =	sld [smem:$0x3FFD];
	_ =	sdelay $0x3  }
0x96: {  	_ =	strace s2  }
0x97: {  	_ =	strace $0x8FFFFFFF  }
0x98: {  	s18 =	sld [smem:$0x3FDB];
	_ =	sdelay $0x1  }
0x99: {  	s19 =	simm.s32 $_scs_section_size  }
0x9a: {  	s4 =	simm.s32 $_size__tile_overlayer_lowered;
	s5 =	simm.s32 $_tile_overlayer_lowered  }
0x9b: {  	s22 =	simm.s32 $0x1BFF;
	s21 =	sshll.u32 s5, $0x1;
	s2 =	sadd.s32 s19, s18  }
0x9c: {  	s6 =	simm.s32 $0x0;
	s20 =	sshll.u32 s4, $0x1;
	s4 =	sadd.s32 s21, s2  }
0x9d: {  	[timem:s6], [sflag:s22] =	dma.local [hbm:s4], s20  }
0x9e: {  	_ =	swait.ge [sflag:s22], s20  }
0x9f: {  	s3 =	ssub.s32 $0x0, s20;
	[sflag:s22] =	ssyncset.done $0x0  }
0xa0: {  	[sflag:s22] =	ssyncadd.s32 s3;
	_ =	sdelay $0x1  }
0xa1: {  	s23 =	simm.s32 $0x1B8B  }
0xa2: {  	_ =	swait.ge [sflag:s23], $0x1  }
0xa3: {  	[sflag:s23] =	ssyncset.done $0x0  }
0xa4: {  	s25 =	simm.s32 $0x1B8E;
	s24 =	sld [smem:$0x3FFE];
	[sflag:s23] =	ssyncadd.s32 $0xFFFFFFFF  }
0xa5: {  	s26 =	simm.s32 $execute0_lowered;
	[smem:$0x3FD2] =	sst s25  }
0xa6: {  	s4 =	sshll.u32 s26, $0x1;
	_ =	strace $0x80000049;
	[dreg:$0x1] =	wrdreg $0xFFFFFFFF  }
0xa7: {  	s28 =	simm.s32 $_size_execute0_lowered;
	s2 =	sadd.s32 s2, s4;
	[dreg:$0x0] =	wrdreg $0x0  }
0xa8: {  	s4 =	sshll.u32 s28, $0x1;
	[dreg:$0x2] =	wrdreg s2  }
0xa9: {  	[dreg:$0x3] =	wrdreg s4  }
0xaa: {  	[dreg:$0x4] =	wrdreg $0xC0  }
0xab: {  	_ =	task [dreg:s6], $0x5FFFF  }
0xac: {  	[dreg:$0x1] =	wrdreg $0xFFFFFFFF  }
0xad: {  	[dreg:$0x0] =	wrdreg $0x60  }
0xae: {  	[dreg:$0x2] =	wrdreg s24  }
0xaf: {  	[dreg:$0x3] =	wrdreg $0x9  }
0xb0: {  	_ =	task.clear_ibuf [dreg:s6], $0x4FFFF;
	_ =	strace $0x90000049  }
0xb1: {  	s29 =	simm.s32 $0x9;
	_ =	strace $0x8000004B  }
0xb2: {  	_ =	swait.ge [sflag:s29], $0x1  }
0xb3: {  	[sflag:s29] =	ssyncadd.s32 $0xFFFFFFFF  }
0xb4: {  	_ =	strace $0x9000004B  }
0xb5: {  	_ =	sfence  }
0xb6: {  	s30 =	sld [smem:$0x0];
	_ =	sdelay $0x2  }
0xb7: {  	s31 =	sshll.u32 s1, $0xD;
	s1 =	sshrl.u32 s1, $0x2  }
0xb8: {  	s3 =	sand.u32 $0x4000, s31;
	s1 =	sadd.s32 s1, s30  }
0xb9: {  	s0 =	sor.u32 s3, s0;
	s1 =	sshll.u32 s1, $0x11  }
0xba: {  	s0 =	sor.u32 s1, s0  }
0xbb: {  	s0 =	sadd.s32 $0x8F2B, s0  }
0xbc: {  	[sflag:s0] =	ssyncadd.remote.s32 $0x1  }
0xbd: {  	_ =	sfence.sel $0xFFFF  }
0xbe: {  	[dreg:$0x0] =	wrdreg $0xFFFFFFFF;
	(pc) =	sbr.abs _section_cstart, $3  }
0xbf: {  	[dreg:$0x1] =	wrdreg $0xFFFFFFFF  }
0xc0: {  	_ =	task.clear_ibuf [dreg:s6], $0x2FFFF;
	_ =	strace $0x9FFFFFFF  }
0xc1: {  	(tm) =	ssettm $0x7FFFFFFF  }
tec
execute0_lowered:
.L_overlay_start_1:
0x0: {  	(tag) =	ssettag $0x1  }
0x1: {  	s1 =	srdreg.scid  }
0x2: {  	s0 =	stileid.u32;
	s2 =	rddreg [dreg:$0x0];
	s1 =	sshll.u32 s1, $0x4  }
0x3: {  	s6 =	simm.s32 $0x1;
	s3 =	sshll.u32 s0, $0x5;
	s1 =	sand.u32 $0x10, s1  }
0x4: {  	s30 =	simm.s32 $0x2;
	s31 =	simm.s32 $0x3;
	s3 =	sor.u32 s3, s1  }
0x5: {  	s11 =	simm.s32 $0x0;
	s8 =	simm.s32 $0x0;
	s5 =	ssub.s32 $0x560, s3  }
0x6: {  	s9 =	simm.s32 $0x0;
	s4 =	sadd.s32 $0x1000, s2;
	s7 =	sand.u32 $0x1F0, s5  }
0x7: {  	s1 =	rddreg [dreg:$0x1];
	_ =	strace $0x8000004A;
	p0 =	sne.s32 s7, $0x0  }
0x8: {  	[sflag:s6] =	ssyncpa.u1 $0x0;
	s5 =	sshrl.u32 s5, $0x9;
	s6 =	simm.s32 @!p0 $0x0  }
0x9: {  	s10 =	smov.u32 s3;
	[sflag:s30] =	ssyncpa.u1 $0x0;
	s5 =	sadd.s32 s6, s5  }
0xa: {  	[sflag:s31] =	ssyncpa.u1 $0x0;
	s6 =	sadd.s32 $0x1200, s2;
	s7 =	sadd.s32 $0x1, s5  }
.LBB2_1:
0xb: {  	p0 =	sge.u32 s9, s5  }
0xc: {  	s31 =	sadd.s32 $0xFFFFFFFF, s9;
	s12 =	sxor.u32 @!p0 $0xFFFFFFFF, s8;
	s13 =	sshrl.u32 @!p0 s10, $0x3  }
0xd: {  	s14 =	sand.u32 @!p0 $0x7, s10;
	s12 =	sand.u32 @!p0 $0x10, s12;
	s13 =	sadd.s32 @!p0 s4, s13  }
0xe: {  	[tilespmem:s12], [sflag:$0x2] =	stream.linear.gather @!p0 [hbm4b:s13+s14], $0x10, $0x38;
	[tilespmem:$0x40] =	vst v63  }
0xf: {  	p0 =	sge.u32 s31, s5  }
0x10: {  	s12 =	simm.s32 @!p0 $0x2  }
0x11: {  	_ =	swait.ge @!p0 [sflag:s12], $0x10  }
0x12: {  	[sflag:s12] =	ssyncset.done @!p0 $0x0  }
0x13: {  	[sflag:s12] =	ssyncadd.s32 @!p0 $0xFFFFFFF0;
	s12 =	sand.u32 @!p0 $0x10, s8  }
0x14: {  	(ifvalue) =	ssetifvalue @!p0 $0x7FFFFFFF;
	v0 =	vld.msk @!p0 [tilespmem:s12+$0x0 ss:$0x1], $0xffff;
	_ =	sdelay $0x4  }
0x15: {  	vm0 =	vgt.s32 @!p0 v0, $0x0  }
0x16: {  	v0 =	vnsel @!p0 vm0, $0x0, v0  }
0x17: {  	v0 =	vmin.u32 @!p0 v0, $0x270F;
	_ =	sdelay $0x3  }
0x18: {  	s13 =	simm.s32 @!p0 $0x0;
	s12 =	sor.u32 @!p0 $0x20, s12;
	(ifvalue) =	ssetifvalue @!p0 $0x7FFFFFFF;
	vm0 =	vmmov @!p0 $0xffff  }
0x19: {  	[tilespmem:s12], [sflag:$0x1] =	stream.indirect_vreg.gather @!p0 [hbm4b:s2+s13], $0x1, v0, vm0, $0x4038;
	[tilespmem:$0x40] =	vst v63  }
0x1a: {  	s13 =	simm.s32 @!p0 $0x1  }
0x1b: {  	_ =	swait.ge @!p0 [sflag:s13], $0x10  }
0x1c: {  	s14 =	sshrl.u32 @!p0 s11, $0x3;
	[sflag:s13] =	ssyncset.done @!p0 $0x0  }
0x1d: {  	s11 =	sand.u32 @!p0 $0x7, s11;
	[sflag:s13] =	ssyncadd.s32 @!p0 $0xFFFFFFF0;
	s13 =	sadd.s32 @!p0 s6, s14  }
0x1e: {  	[hbm4b:s13+s11] =	stream.linear.scatter @!p0 [tilespmem:s12], [sflag:$0x3], $0x10, $0x38;
	[tilespmem:$0x40] =	vst v63  }
0x1f: {  	s13 =	sadd.s32 $0x200, s10  }
0x20: {  	p1 =	sgt.s32 s13, $0x55F  }
0x21: {  	s13 =	smov.u32 @p1 s3;
	p1 =	sne.s32 s9, s7  }
.Ltmp0:
0x22: {  	p0 =	slt.u32 s9, $0x2;
	(pc) =	sbr.rel @p1 .LBB2_1-.Ltmp0, $4  }
0x23: {  	s12 =	simm.s32 @!p0 $0x3  }
0x24: {  	_ =	swait.ge @!p0 [sflag:s12], $0x10  }
0x25: {  	s8 =	sadd.s32 $0x10, s8;
	s11 =	smov.u32 s10;
	[sflag:s12] =	ssyncset.done @!p0 $0x0  }
0x26: {  	s9 =	sadd.s32 $0x1, s9;
	s10 =	smov.u32 s13;
	[sflag:s12] =	ssyncadd.s32 @!p0 $0xFFFFFFF0  }
0x27: {  	_ =	sfence.sel $0x180000  }
0x28: {  	s2 =	simm.s32 $0x2;
	[bflag:$0x0] =	sbarrier.arrive $0xFFFF  }
0x29: {  	s30 =	simm.s32 $0x3;
	[sflag:s2] =	ssyncpa.u1 $0x1  }
0x2a: {  	s31 =	simm.s32 $0x1;
	[sflag:s30] =	ssyncpa.u1 $0x1  }
0x2b: {  	[sflag:s31] =	ssyncpa.u1 $0x1  }
0x2c: {  	p0 =	sne.s32 s0, $0x0;
	_ =	strace $0x9000004A  }
0x2d: {  	s0 =	sadd.s32 @!p0 $0x100000, s1;
	[bflag:$0x2] =	sbarrier.arrive $0xFFFF  }
0x2e: {  	[sflag:s0] =	ssyncadd.tile.s32 @!p0 $0x1;
	_ =	shalt  }
.Lfunc_end2:
_tile_overlayer_lowered:
.L_overlay_start_2:
0x2f: {  	(tag) =	ssettag $0x2  }
0x30: {  	s0 =	rddreg [dreg:$0x0];
	s2 =	stileid.u32  }
0x31: {  	s1 =	rddreg [dreg:$0x1];
	p0 =	sne.s32 s2, $0x0  }
0x32: {  	s3 =	rddreg [dreg:$0x2];
	[bflag:$0x3] =	sbarrier.arrive $0xFFFF;
	s2 =	simm.s32 @!p0 $0x1C01  }
0x33: {  	[timem:s3], [sflag:s2] =	dma.local @!p0 [hbm:s0], s1  }
0x34: {  	s0 =	simm.s32 @!p0 $0x1  }
0x35: {  	_ =	swait.ge @!p0 [sflag:s0], s1  }
0x36: {  	s1 =	ssub.s32 @!p0 $0x0, s1;
	[sflag:s0] =	ssyncset.done @!p0 $0x0  }
0x37: {  	[sflag:s0] =	ssyncadd.s32 @!p0 s1  }
0x38: {  	[bflag:$0x3] =	sbarrier.arrive $0xFFFF  }
0x39: {  	_ =	shalt  }

// kernel: kernel.6.cloned.1.call-start
scs
__scs_entry_jumppad:
0x0: {  	(pc) =	sbr.rel $0x88, $3  }
0x1: {  	(tag) =	ssettag $0x0;
	lr =	simm.s32 $0x1  }
0x2: {  	[smem:$0x3F9B] =	sst lr;
	_ =	strace $0xD0000000  }
0x3: {  	_ = 	snop  }
0x4: {  	_ = 	snop  }
0x5: {  	_ = 	snop  }
0x6: {  	_ = 	snop  }
0x7: {  	_ = 	snop  }
__scs_overlays_trampoline_lowered:
0x8: {  	[smem:$0x3FAA] =	sst s0  }
0x9: {  	[smem:$0x3FAB] =	sst s1  }
0xa: {  	[smem:$0x3FAC] =	sst s2  }
0xb: {  	[smem:$0x3FAD] =	sst s3  }
0xc: {  	[smem:$0x3FAE] =	sst s4  }
0xd: {  	[smem:$0x3FAF] =	sst s5  }
0xe: {  	[smem:$0x3FB0] =	sst s6  }
0xf: {  	[smem:$0x3FB1] =	sst s7  }
0x10: {  	[smem:$0x3FB2] =	sst s8  }
0x11: {  	[smem:$0x3FB3] =	sst s9;
	s0 =	simm.s32 @!p0 $0x0  }
0x12: {  	s1 =	sld [smem:$0x3F99];
	s0 =	simm.s32 @p0 $0x1  }
0x13: {  	[smem:$0x3FB4] =	sst s0;
	s0 =	simm.s32 @!p1 $0x0  }
0x14: {  	s2 =	sld [smem:$0x3F98];
	s0 =	simm.s32 @p1 $0x1  }
0x15: {  	[smem:$0x3FB5] =	sst s0;
	s0 =	simm.s32 @!p2 $0x0  }
0x16: {  	s3 =	sld [smem:$0x3FDB];
	s0 =	simm.s32 @p2 $0x1  }
0x17: {  	s4 =	simm.s32 $0x1BF5;
	[smem:$0x3FB7] =	sst s0  }
0x18: {  	s0 =	sld [smem:$0x3F9A];
	_ =	swait.ge [sflag:s4], $0x0  }
0x19: {  	s7 =	sld [smem:$0x3F9B]  }
0x1a: {  	s8 =	sadd.s32 $0xFFFFE003, lr  }
0x1b: {  	s9 =	sadd.s32 $0xFFFFFEF7, lr;
	s5 =	simm.s32 $0xFFFFFFFF;
	p2 =	slt.u32 s8, $0xFFFFF086  }
0x1c: {  	p1 =	slt.u32 s9, $0xF7A;
	s5 =	simm.s32 @!p2 $0x0  }
0x1d: {  	s5 =	simm.s32 @p1 $0x1;
	p0 =	seq.s32 s7, s2  }
0x1e: {  	s7 =	smul.u32 @!p0 $0xF7A, s2;
	p2 =	seq.s32 @!p0 s5, $0x0  }
0x1f: {  	s9 =	smul.u32 $0xF7A, s1;
	s8 =	simm.s32 @!p0 $0x1BF5;
	p2 =	por !p2, p0  }
0x20: {  	[sflag:s8] =	ssyncset.s32 @!p0 $0xFFFFF086;
	s6 =	sadd.s32 @!p0 s3, s7;
	s7 =	simm.s32 @!p0 $0x108  }
0x21: {  	s3 =	sadd.s32 s3, s9;
	s6 =	sadd.s32 @!p0 $0x88, s6;
	s7 =	simm.s32 @p2 $0x1082  }
0x22: {  	[simem:s7], [sflag:s8] =	dma.local @!p0 [hbm:s6], $0xF7A  }
0x23: {  	s9 =	sor.u32 $0xD0000000, s2;
	s6 =	simm.s32 $0x108;
	_ =	swait.ge @!p0 [sflag:s8], $0x0  }
0x24: {  	s3 =	sadd.s32 $0x88, s3;
	s6 =	simm.s32 @!p1 $0x1082;
	[sflag:s4] =	ssyncset.s32 $0xFFFFF086  }
0x25: {  	[simem:s6], [sflag:s4] =	dma.local [hbm:s3], $0xF7A  }
0x26: {  	[smem:$0x3F9B] =	sst s1;
	(tag) =	ssettag s2;
	_ =	strace s9  }
0x27: {  	s1 =	sld [smem:$0x3FAB]  }
0x28: {  	s2 =	sld [smem:$0x3FAC]  }
0x29: {  	s4 =	sld [smem:$0x3FAE]  }
0x2a: {  	p0 =	seq.s32 s5, $0x0;
	s5 =	sld [smem:$0x3FAF]  }
0x2b: {  	s6 =	sld [smem:$0x3FB0]  }
0x2c: {  	s7 =	sld [smem:$0x3FB1]  }
0x2d: {  	s3 =	simm.s32 $0x108;
	s8 =	sld [smem:$0x3FB2]  }
0x2e: {  	s3 =	simm.s32 @!p0 $0x1082;
	s9 =	sld [smem:$0x3FB3]  }
0x2f: {  	lr =	sadd.s32 s0, s3;
	s0 =	sld [smem:$0x3FAA]  }
0x30: {  	s3 =	sld [smem:$0x3FAD]  }
0x31: {  	[smem:$0x3FB6] =	sst s10  }
0x32: {  	s10 =	sld [smem:$0x3FB4];
	_ =	sdelay $0x3  }
0x33: {  	p0 =	seq.s32 s10, $0x1;
	s10 =	sld [smem:$0x3FB6];
	_ =	sdelay $0x3  }
0x34: {  	[smem:$0x3FB6] =	sst s10  }
0x35: {  	s10 =	sld [smem:$0x3FB5];
	_ =	sdelay $0x3  }
0x36: {  	p1 =	seq.s32 s10, $0x1;
	s10 =	sld [smem:$0x3FB6];
	_ =	sdelay $0x3  }
0x37: {  	[smem:$0x3FB6] =	sst s10  }
0x38: {  	s10 =	sld [smem:$0x3FB7]  }
0x39: {  	_ = 	snop;
	(pc) =	sbr.ind lr, $3  }
0x3a: {  	_ = 	snop  }
0x3b: {  	_ = 	snop  }
0x3c: {  	p2 =	seq.s32 s10, $0x1;
	s10 =	sld [smem:$0x3FB6]  }
0x3d: {  	_ =	shalt  }
0x3e: {  	_ =	shalt  }
0x3f: {  	_ =	shalt  }
0x40: {  	_ =	shalt  }
0x41: {  	_ =	shalt  }
0x42: {  	_ =	shalt  }
0x43: {  	_ =	shalt  }
0x44: {  	_ =	shalt  }
0x45: {  	_ =	shalt  }
0x46: {  	_ =	shalt  }
0x47: {  	_ =	shalt  }
0x48: {  	_ =	shalt  }
0x49: {  	_ =	shalt  }
0x4a: {  	_ =	shalt  }
0x4b: {  	_ =	shalt  }
0x4c: {  	_ =	shalt  }
0x4d: {  	_ =	shalt  }
0x4e: {  	_ =	shalt  }
0x4f: {  	_ =	shalt  }
0x50: {  	_ =	shalt  }
0x51: {  	_ =	shalt  }
0x52: {  	_ =	shalt  }
0x53: {  	_ =	shalt  }
0x54: {  	_ =	shalt  }
0x55: {  	_ =	shalt  }
0x56: {  	_ =	shalt  }
0x57: {  	_ =	shalt  }
0x58: {  	_ =	shalt  }
0x59: {  	_ =	shalt  }
0x5a: {  	_ =	shalt  }
0x5b: {  	_ =	shalt  }
0x5c: {  	_ =	shalt  }
0x5d: {  	_ =	shalt  }
0x5e: {  	_ =	shalt  }
0x5f: {  	_ =	shalt  }
0x60: {  	_ =	shalt  }
0x61: {  	_ =	shalt  }
0x62: {  	_ =	shalt  }
0x63: {  	_ =	shalt  }
0x64: {  	_ =	shalt  }
0x65: {  	_ =	shalt  }
0x66: {  	_ =	shalt  }
0x67: {  	_ =	shalt  }
0x68: {  	_ =	shalt  }
0x69: {  	_ =	shalt  }
0x6a: {  	_ =	shalt  }
0x6b: {  	_ =	shalt  }
0x6c: {  	_ =	shalt  }
0x6d: {  	_ =	shalt  }
0x6e: {  	_ =	shalt  }
0x6f: {  	_ =	shalt  }
0x70: {  	_ =	shalt  }
0x71: {  	_ =	shalt  }
0x72: {  	_ =	shalt  }
0x73: {  	_ =	shalt  }
0x74: {  	_ =	shalt  }
0x75: {  	_ =	shalt  }
0x76: {  	_ =	shalt  }
0x77: {  	_ =	shalt  }
0x78: {  	_ =	shalt  }
0x79: {  	_ =	shalt  }
0x7a: {  	_ =	shalt  }
0x7b: {  	_ =	shalt  }
0x7c: {  	_ =	shalt  }
0x7d: {  	_ =	shalt  }
0x7e: {  	_ =	shalt  }
0x7f: {  	_ =	shalt  }
0x80: {  	_ =	shalt  }
0x81: {  	_ =	shalt  }
0x82: {  	_ =	shalt  }
0x83: {  	_ =	shalt  }
0x84: {  	_ =	shalt  }
0x85: {  	_ =	shalt  }
0x86: {  	_ =	shalt  }
0x87: {  	_ =	shalt  }
.Lfunc_end0:
.L_simem_size_0:
called_computation.2_lowered:
.L_overlay_start_0:
0x88: {  	s2 =	sld [smem:$0x3FD9]  }
0x89: {  	s3 =	sld [smem:$0x3FFE];
	_ =	sdelay $0x1  }
0x8a: {  	s1 =	srdreg.scid  }
0x8b: {  	s0 =	sand.u32 $0x1, s1  }
0x8c: {  	s15 =	sshll.u32 s0, $0xA;
	s2 =	sadd.s32 s3, s2  }
0x8d: {  	s2 =	sadd.s32 s2, s15  }
0x8e: {  	[smem:$0x3FC2] =	sst s2  }
0x8f: {  	_ = 	snop  }
0x90: {  	s16 =	sld [smem:$0x3FD0];
	_ =	sdelay $0x2  }
0x91: {  	s4 =	simm.s32 $0xB;
	s5 =	simm.s32 $0x10;
	s2 =	sld [smem:$0x3FC9]  }
0x92: {  	[smem:s5], [sflag:s4] =	dma.local [hbm:s16], $0x1  }
0x93: {  	_ =	swait.eq [sflag:s4], $0x1  }
0x94: {  	[sflag:s4] =	ssyncset.done $0x0  }
0x95: {  	[sflag:s4] =	ssyncadd.s32 $0xFFFFFFFF  }
0x96: {  	s17 =	sld [smem:$0x10];
	(tm) =	ssettm $0x1  }
0x97: {  	s18 =	sld [smem:$0x3FFB];
	_ =	sdelay $0x3  }
0x98: {  	_ =	strace s18  }
0x99: {  	s3 =	sld [smem:$0x3FFC];
	_ =	sdelay $0x3  }
0x9a: {  	_ =	strace s3  }
0x9b: {  	s3 =	sld [smem:$0x3FFD];
	_ =	sdelay $0x3  }
0x9c: {  	_ =	strace s3  }
0x9d: {  	_ =	strace $0x8FFFFFFF  }
0x9e: {  	s19 =	sld [smem:$0x3FDB];
	_ =	sdelay $0x1  }
0x9f: {  	s20 =	simm.s32 $_scs_section_size  }
0xa0: {  	s6 =	simm.s32 $_size__tile_overlayer_lowered;
	s7 =	simm.s32 $_tile_overlayer_lowered  }
0xa1: {  	s8 =	simm.s32 $0x1BFF;
	s21 =	sshll.u32 s7, $0x1;
	s5 =	sadd.s32 s20, s19  }
0xa2: {  	s22 =	simm.s32 $0x0;
	s6 =	sshll.u32 s6, $0x1;
	s7 =	sadd.s32 s21, s5  }
0xa3: {  	[timem:s22], [sflag:s8] =	dma.local [hbm:s7], s6  }
0xa4: {  	_ =	swait.ge [sflag:s8], s6  }
0xa5: {  	s6 =	ssub.s32 $0x0, s6;
	[sflag:s8] =	ssyncset.done $0x0  }
0xa6: {  	[sflag:s8] =	ssyncadd.s32 s6;
	_ =	sdelay $0x1  }
0xa7: {  	s23 =	simm.s32 $0x1B8B  }
0xa8: {  	_ =	swait.ge [sflag:s23], $0x1  }
0xa9: {  	[sflag:s23] =	ssyncset.done $0x0  }
0xaa: {  	[sflag:s23] =	ssyncadd.s32 $0xFFFFFFFF  }
0xab: {  	s6 =	sld [smem:$0x0]  }
0xac: {  	s7 =	sand.u32 $0xFFFFFFFE, s1  }
0xad: {  	p0 =	sne.s32 s1, s7  }
0xae: {  	s7 =	sshll.u32 @p0 s7, $0xE  }
0xaf: {  	s7 =	sadd.s32 @p0 $0x11B8D, s7;
	s8 =	sshll.u32 @p0 s6, $0x11  }
0xb0: {  	s7 =	sor.u32 @p0 s8, s7  }
0xb1: {  	[sflag:s7] =	ssyncadd.remote.s32 @p0 $0x1;
	_ =	sdelay $0x1  }
0xb2: {  	s7 =	simm.s32 @p0 $0x1B8D  }
0xb3: {  	_ =	swait.eq @p0 [sflag:s7], $0x1  }
0xb4: {  	[sflag:s7] =	ssyncadd.s32 @p0 $0xFFFFFFFF  }
0xb5: {  	s8 =	sshll.u32 @!p0 s1, $0xE  }
0xb6: {  	s8 =	sor.u32 @!p0 $0x4000, s8;
	s7 =	simm.s32 @!p0 $0x1B8D  }
0xb7: {  	s6 =	sshll.u32 @!p0 s6, $0x11;
	s8 =	sadd.s32 @!p0 $0x11B8D, s8;
	_ =	swait.eq @!p0 [sflag:s7], $0x1  }
0xb8: {  	s6 =	sor.u32 @!p0 s6, s8;
	[sflag:s7] =	ssyncadd.s32 @!p0 $0xFFFFFFFF  }
0xb9: {  	s25 =	simm.s32 $0x1B8E;
	s24 =	sld [smem:$0x3FFE];
	[sflag:s6] =	ssyncadd.remote.s32 @!p0 $0x1  }
0xba: {  	s26 =	simm.s32 $execute0_lowered;
	[smem:$0x3FD2] =	sst s25  }
0xbb: {  	s7 =	sshll.u32 s26, $0x1;
	_ =	strace $0x8000004C;
	[dreg:$0x1] =	wrdreg $0xFFFFFFFF  }
0xbc: {  	s28 =	simm.s32 $_size_execute0_lowered;
	s5 =	sadd.s32 s5, s7;
	[dreg:$0x0] =	wrdreg $0x0  }
0xbd: {  	s7 =	sshll.u32 s28, $0x1;
	[dreg:$0x2] =	wrdreg s5  }
0xbe: {  	[dreg:$0x3] =	wrdreg s7  }
0xbf: {  	[dreg:$0x4] =	wrdreg $0xC0  }
0xc0: {  	_ =	task [dreg:s22], $0x5FFFF  }
0xc1: {  	[dreg:$0x1] =	wrdreg $0xFFFFFFFF  }
0xc2: {  	[dreg:$0x0] =	wrdreg $0x60  }
0xc3: {  	[dreg:$0x2] =	wrdreg s2  }
0xc4: {  	[dreg:$0x3] =	wrdreg s17  }
0xc5: {  	[dreg:$0x4] =	wrdreg s24  }
0xc6: {  	[dreg:$0x5] =	wrdreg $0xA  }
0xc7: {  	_ =	task.clear_ibuf [dreg:s22], $0x6FFFF;
	_ =	strace $0x9000004C  }
0xc8: {  	s29 =	simm.s32 $0xA;
	_ =	strace $0x8000004E  }
0xc9: {  	_ =	swait.ge [sflag:s29], $0x1  }
0xca: {  	[sflag:s29] =	ssyncadd.s32 $0xFFFFFFFF  }
0xcb: {  	_ =	strace $0x9000004E  }
0xcc: {  	_ =	sfence  }
0xcd: {  	s30 =	sld [smem:$0x0];
	_ =	sdelay $0x2  }
0xce: {  	s31 =	sshll.u32 s1, $0xD;
	s1 =	sshrl.u32 s1, $0x2  }
0xcf: {  	s4 =	sand.u32 $0x4000, s31;
	s1 =	sadd.s32 s1, s30  }
0xd0: {  	s0 =	sor.u32 s4, s0;
	s1 =	sshll.u32 s1, $0x11  }
0xd1: {  	s0 =	sor.u32 s1, s0  }
0xd2: {  	s0 =	sadd.s32 $0x8F2B, s0  }
0xd3: {  	[sflag:s0] =	ssyncadd.remote.s32 $0x1  }
0xd4: {  	_ =	sfence.sel $0xFFFF  }
0xd5: {  	[dreg:$0x0] =	wrdreg $0xFFFFFFFF;
	(pc) =	sbr.abs _section_cstart, $3  }
0xd6: {  	[dreg:$0x1] =	wrdreg $0xFFFFFFFF  }
0xd7: {  	_ =	task.clear_ibuf [dreg:s22], $0x2FFFF;
	_ =	strace $0x9FFFFFFF  }
0xd8: {  	(tm) =	ssettm $0x7FFFFFFF  }
0xd9: {  	_ =	shalt  }
tec
execute0_lowered:
.L_overlay_start_1:
0x0: {  	(tag) =	ssettag $0x1  }
0x1: {  	s1 =	srdreg.scid;
	s0 =	stileid.u32  }
0x2: {  	s2 =	rddreg [dreg:$0x0];
	s17 =	sand.u32 $0x1, s1;
	s30 =	sshll.u32 s0, $0x1  }
0x3: {  	s3 =	rddreg [dreg:$0x1];
	s18 =	sor.u32 s17, s30  }
0x4: {  	s19 =	rddreg [dreg:$0x2];
	s5 =	smul.u32 $0x2B, s18  }
0x5: {  	s4 =	simm.s32 $0x0;
	s1 =	rddreg [dreg:$0x3]  }
0x6: {  	[smem:$0x7FF] =	sst s4;
	s5 =	sadd.s32 s5, s19  }
0x7: {  	_ =	strace $0x8000004D;
	s6 =	sadd.s32 $0xA00, s5;
	s5 =	simm.s32 $0x2  }
0x8: {  	[tilespmem:s4], [sflag:$0x2] =	stream.linear.gather [hbm4b:s6+s4], $0x158, $0x38;
	[tilespmem:$0x15980] =	vst v63  }
0x9: {  	_ =	swait.ge [sflag:s5], $0x158  }
0xa: {  	[sflag:s5] =	ssyncset.done $0x0  }
0xb: {  	s7 =	simm.s32 $0x80;
	s8 =	simm.s32 $0x180;
	[sflag:s5] =	ssyncadd.s32 $0xFFFFFEA8  }
0xc: {  	[tilespmem:s8], [sflag:$0x1] =	stream.indirect.gather [hbm4b:s2+s7], $0x80, s4, s7, $0xb8;
	[tilespmem:$0x15980] =	vst v63  }
0xd: {  	s9 =	simm.s32 $0xAD80  }
0xe: {  	[tilespmem:s9], [sflag:$0x1] =	stream.indirect.gather [hbm4b:s3+s7], $0x80, s4, s7, $0xb8;
	[tilespmem:$0x15980] =	vst v63  }
0xf: {  	s10 =	simm.s32 $0x4180  }
0x10: {  	[tilespmem:s10], [sflag:$0x1] =	stream.indirect.gather [hbm4b:s2+s7], $0x80, s7, s7, $0xb8;
	[tilespmem:$0x15980] =	vst v63  }
0x11: {  	s11 =	simm.s32 $0xED80  }
0x12: {  	[tilespmem:s11], [sflag:$0x1] =	stream.indirect.gather [hbm4b:s3+s7], $0x80, s7, s7, $0xb8;
	[tilespmem:$0x15980] =	vst v63  }
0x13: {  	s12 =	simm.s32 $0x58;
	s13 =	simm.s32 $0x100;
	s14 =	simm.s32 $0x8180  }
0x14: {  	[tilespmem:s14], [sflag:$0x1] =	stream.indirect.gather [hbm4b:s2+s12], $0x80, s13, s12, $0xb8;
	[tilespmem:$0x15980] =	vst v63  }
0x15: {  	s15 =	simm.s32 $0x12D80;
	s16 =	simm.s32 $0x1  }
0x16: {  	[tilespmem:s15], [sflag:$0x1] =	stream.indirect.gather [hbm4b:s3+s12], $0x80, s13, s12, $0xb8;
	[tilespmem:$0x15980] =	vst v63  }
0x17: {  	_ =	swait.ge [sflag:s16], $0x4000  }
0x18: {  	[sflag:s16] =	ssyncset.done $0x0  }
0x19: {  	[sflag:s16] =	ssyncadd.s32 $0xFFFFC000  }
0x1a: {  	_ =	swait.ge [sflag:s16], $0x4000  }
0x1b: {  	[sflag:s16] =	ssyncset.done $0x0  }
0x1c: {  	[sflag:s16] =	ssyncadd.s32 $0xFFFFC000  }
0x1d: {  	_ =	swait.ge [sflag:s16], $0x4000  }
0x1e: {  	[sflag:s16] =	ssyncset.done $0x0  }
0x1f: {  	[sflag:s16] =	ssyncadd.s32 $0xFFFFC000  }
0x20: {  	_ =	swait.ge [sflag:s16], $0x4000  }
0x21: {  	[sflag:s16] =	ssyncset.done $0x0  }
0x22: {  	[sflag:s16] =	ssyncadd.s32 $0xFFFFC000  }
0x23: {  	_ =	swait.ge [sflag:s16], $0x2C00  }
0x24: {  	[sflag:s16] =	ssyncset.done $0x0  }
0x25: {  	s31 =	ssub.s32 $0x2, s17;
	s18 =	smul.u32 $0x1580, s18;
	[sflag:s16] =	ssyncadd.s32 $0xFFFFD400  }
0x26: {  	s20 =	sshrl.u32 s31, $0x1;
	_ =	swait.ge [sflag:s16], $0x2C00  }
0x27: {  	s18 =	sadd.s32 s18, s19;
	s19 =	ssub.s32 s31, s20;
	[sflag:s16] =	ssyncset.done $0x0  }
0x28: {  	s17 =	sadd.s32 $0x2C400, s18;
	s19 =	smax.u32 s19, $0x1;
	[sflag:s16] =	ssyncadd.s32 $0xFFFFD400  }
0x29: {  	[hbm4b:s17+s4] =	stream.linear.scatter [tilespmem:s8], [sflag:$0x2], $0xAC00, $0x38;
	[tilespmem:$0x15980] =	vst v63  }
0x2a: {  	p0 =	sne.s32 s19, $0x1;
	_ =	swait.ge [sflag:s5], $0xAC00  }
.Ltmp0:
0x2b: {  	[sflag:s5] =	ssyncset.done $0x0;
	(pc) =	sbr.rel @!p0 .LBB2_2-.Ltmp0, $4  }
0x2c: {  	s18 =	sadd.s32 $0x1400, s18;
	[sflag:s5] =	ssyncadd.s32 $0xFFFF5400  }
0x2d: {  	[hbm4b:s18+s4] =	stream.linear.scatter [tilespmem:s9], [sflag:$0x2], $0xAC00, $0x38;
	[tilespmem:$0x15980] =	vst v63  }
0x2e: {  	_ =	swait.ge [sflag:s5], $0xAC00  }
0x2f: {  	s19 =	sadd.s32 $0xFFFFFFFF, s19;
	[sflag:s5] =	ssyncset.done $0x0  }
.LBB2_1:
0x30: {  	p0 =	sne.s32 s19, $0x1;
	s19 =	sadd.s32 $0xFFFFFFFF, s19;
	[sflag:s5] =	ssyncadd.s32 $0xFFFF5400  }
0x31: {  	[tilespmem:s4], [sflag:$0x2] =	stream.linear.gather [hbm4b:s6+s4], $0x158, $0x38;
	[tilespmem:$0x15980] =	vst v63  }
0x32: {  	_ =	swait.ge [sflag:s5], $0x158  }
0x33: {  	[sflag:s5] =	ssyncset.done $0x0  }
0x34: {  	[sflag:s5] =	ssyncadd.s32 $0xFFFFFEA8  }
0x35: {  	[tilespmem:s8], [sflag:$0x1] =	stream.indirect.gather [hbm4b:s2+s7], $0x80, s4, s7, $0xb8;
	[tilespmem:$0x15980] =	vst v63  }
0x36: {  	_ = 	snop  }
0x37: {  	[tilespmem:s9], [sflag:$0x1] =	stream.indirect.gather [hbm4b:s3+s7], $0x80, s4, s7, $0xb8;
	[tilespmem:$0x15980] =	vst v63  }
0x38: {  	_ = 	snop  }
0x39: {  	[tilespmem:s10], [sflag:$0x1] =	stream.indirect.gather [hbm4b:s2+s7], $0x80, s7, s7, $0xb8;
	[tilespmem:$0x15980] =	vst v63  }
0x3a: {  	_ = 	snop  }
0x3b: {  	[tilespmem:s11], [sflag:$0x1] =	stream.indirect.gather [hbm4b:s3+s7], $0x80, s7, s7, $0xb8;
	[tilespmem:$0x15980] =	vst v63  }
0x3c: {  	_ = 	snop  }
0x3d: {  	[tilespmem:s14], [sflag:$0x1] =	stream.indirect.gather [hbm4b:s2+s12], $0x80, s13, s12, $0xb8;
	[tilespmem:$0x15980] =	vst v63  }
0x3e: {  	_ = 	snop  }
0x3f: {  	[tilespmem:s15], [sflag:$0x1] =	stream.indirect.gather [hbm4b:s3+s12], $0x80, s13, s12, $0xb8;
	[tilespmem:$0x15980] =	vst v63  }
0x40: {  	_ =	swait.ge [sflag:s16], $0x4000  }
0x41: {  	[sflag:s16] =	ssyncset.done $0x0  }
0x42: {  	[sflag:s16] =	ssyncadd.s32 $0xFFFFC000  }
0x43: {  	_ =	swait.ge [sflag:s16], $0x4000  }
0x44: {  	[sflag:s16] =	ssyncset.done $0x0  }
0x45: {  	[sflag:s16] =	ssyncadd.s32 $0xFFFFC000  }
0x46: {  	_ =	swait.ge [sflag:s16], $0x4000  }
0x47: {  	[sflag:s16] =	ssyncset.done $0x0  }
0x48: {  	[sflag:s16] =	ssyncadd.s32 $0xFFFFC000  }
0x49: {  	_ =	swait.ge [sflag:s16], $0x4000  }
0x4a: {  	[sflag:s16] =	ssyncset.done $0x0  }
0x4b: {  	[sflag:s16] =	ssyncadd.s32 $0xFFFFC000  }
0x4c: {  	_ =	swait.ge [sflag:s16], $0x2C00  }
0x4d: {  	[sflag:s16] =	ssyncset.done $0x0  }
0x4e: {  	[sflag:s16] =	ssyncadd.s32 $0xFFFFD400  }
0x4f: {  	_ =	swait.ge [sflag:s16], $0x2C00  }
0x50: {  	[sflag:s16] =	ssyncset.done $0x0  }
0x51: {  	[sflag:s16] =	ssyncadd.s32 $0xFFFFD400  }
0x52: {  	[hbm4b:s17+s4] =	stream.linear.scatter [tilespmem:s8], [sflag:$0x2], $0xAC00, $0x38;
	[tilespmem:$0x15980] =	vst v63  }
0x53: {  	_ =	swait.ge [sflag:s5], $0xAC00  }
.Ltmp1:
0x54: {  	[sflag:s5] =	ssyncset.done $0x0;
	(pc) =	sbr.rel @p0 .LBB2_1-.Ltmp1, $4  }
0x55: {  	[sflag:s5] =	ssyncadd.s32 $0xFFFF5400  }
0x56: {  	[hbm4b:s18+s4] =	stream.linear.scatter [tilespmem:s9], [sflag:$0x2], $0xAC00, $0x38;
	[tilespmem:$0x15980] =	vst v63  }
0x57: {  	_ =	swait.ge [sflag:s5], $0xAC00  }
0x58: {  	[sflag:s5] =	ssyncset.done $0x0  }
.LBB2_2:
0x59: {  	[sflag:s5] =	ssyncadd.s32 $0xFFFF5400  }
0x5a: {  	_ =	sfence.sel $0x180000  }
0x5b: {  	[bflag:$0x0] =	sbarrier.arrive $0xFFFF  }
0x5c: {  	p0 =	sne.s32 s0, $0x0;
	_ =	strace $0x9000004D  }
0x5d: {  	s0 =	sadd.s32 @!p0 $0x100000, s1;
	[bflag:$0x2] =	sbarrier.arrive $0xFFFF  }
0x5e: {  	[sflag:s0] =	ssyncadd.tile.s32 @!p0 $0x1;
	_ =	shalt  }
.Lfunc_end2:
_tile_overlayer_lowered:
.L_overlay_start_2:
0x5f: {  	(tag) =	ssettag $0x2  }
0x60: {  	s0 =	rddreg [dreg:$0x0];
	s2 =	stileid.u32  }
0x61: {  	s1 =	rddreg [dreg:$0x1];
	p0 =	sne.s32 s2, $0x0  }
0x62: {  	s3 =	rddreg [dreg:$0x2];
	[bflag:$0x3] =	sbarrier.arrive $0xFFFF;
	s2 =	simm.s32 @!p0 $0x1C02  }
0x63: {  	[timem:s3], [sflag:s2] =	dma.local @!p0 [hbm:s0], s1  }
0x64: {  	s0 =	simm.s32 @!p0 $0x2  }
0x65: {  	_ =	swait.ge @!p0 [sflag:s0], s1  }
0x66: {  	s1 =	ssub.s32 @!p0 $0x0, s1;
	[sflag:s0] =	ssyncset.done @!p0 $0x0  }
0x67: {  	[sflag:s0] =	ssyncadd.s32 @!p0 s1  }
0x68: {  	[bflag:$0x3] =	sbarrier.arrive $0xFFFF  }
0x69: {  	_ =	shalt  }

// kernel: kernel.9.cloned.1.call-start
scs
__scs_entry_jumppad:
0x0: {  	(pc) =	sbr.rel $0x88, $3  }
0x1: {  	(tag) =	ssettag $0x0;
	lr =	simm.s32 $0x1  }
0x2: {  	[smem:$0x3F9B] =	sst lr;
	_ =	strace $0xD0000000  }
0x3: {  	_ = 	snop  }
0x4: {  	_ = 	snop  }
0x5: {  	_ = 	snop  }
0x6: {  	_ = 	snop  }
0x7: {  	_ = 	snop  }
__scs_overlays_trampoline_lowered:
0x8: {  	[smem:$0x3FAA] =	sst s0  }
0x9: {  	[smem:$0x3FAB] =	sst s1  }
0xa: {  	[smem:$0x3FAC] =	sst s2  }
0xb: {  	[smem:$0x3FAD] =	sst s3  }
0xc: {  	[smem:$0x3FAE] =	sst s4  }
0xd: {  	[smem:$0x3FAF] =	sst s5  }
0xe: {  	[smem:$0x3FB0] =	sst s6  }
0xf: {  	[smem:$0x3FB1] =	sst s7  }
0x10: {  	[smem:$0x3FB2] =	sst s8  }
0x11: {  	[smem:$0x3FB3] =	sst s9;
	s0 =	simm.s32 @!p0 $0x0  }
0x12: {  	s1 =	sld [smem:$0x3F99];
	s0 =	simm.s32 @p0 $0x1  }
0x13: {  	[smem:$0x3FB4] =	sst s0;
	s0 =	simm.s32 @!p1 $0x0  }
0x14: {  	s2 =	sld [smem:$0x3F98];
	s0 =	simm.s32 @p1 $0x1  }
0x15: {  	[smem:$0x3FB5] =	sst s0;
	s0 =	simm.s32 @!p2 $0x0  }
0x16: {  	s3 =	sld [smem:$0x3FDB];
	s0 =	simm.s32 @p2 $0x1  }
0x17: {  	s4 =	simm.s32 $0x1BF5;
	[smem:$0x3FB7] =	sst s0  }
0x18: {  	s0 =	sld [smem:$0x3F9A];
	_ =	swait.ge [sflag:s4], $0x0  }
0x19: {  	s7 =	sld [smem:$0x3F9B]  }
0x1a: {  	s8 =	sadd.s32 $0xFFFFE003, lr  }
0x1b: {  	s9 =	sadd.s32 $0xFFFFFEF7, lr;
	s5 =	simm.s32 $0xFFFFFFFF;
	p2 =	slt.u32 s8, $0xFFFFF086  }
0x1c: {  	p1 =	slt.u32 s9, $0xF7A;
	s5 =	simm.s32 @!p2 $0x0  }
0x1d: {  	s5 =	simm.s32 @p1 $0x1;
	p0 =	seq.s32 s7, s2  }
0x1e: {  	s7 =	smul.u32 @!p0 $0xF7A, s2;
	p2 =	seq.s32 @!p0 s5, $0x0  }
0x1f: {  	s9 =	smul.u32 $0xF7A, s1;
	s8 =	simm.s32 @!p0 $0x1BF5;
	p2 =	por !p2, p0  }
0x20: {  	[sflag:s8] =	ssyncset.s32 @!p0 $0xFFFFF086;
	s6 =	sadd.s32 @!p0 s3, s7;
	s7 =	simm.s32 @!p0 $0x108  }
0x21: {  	s3 =	sadd.s32 s3, s9;
	s6 =	sadd.s32 @!p0 $0x88, s6;
	s7 =	simm.s32 @p2 $0x1082  }
0x22: {  	[simem:s7], [sflag:s8] =	dma.local @!p0 [hbm:s6], $0xF7A  }
0x23: {  	s9 =	sor.u32 $0xD0000000, s2;
	s6 =	simm.s32 $0x108;
	_ =	swait.ge @!p0 [sflag:s8], $0x0  }
0x24: {  	s3 =	sadd.s32 $0x88, s3;
	s6 =	simm.s32 @!p1 $0x1082;
	[sflag:s4] =	ssyncset.s32 $0xFFFFF086  }
0x25: {  	[simem:s6], [sflag:s4] =	dma.local [hbm:s3], $0xF7A  }
0x26: {  	[smem:$0x3F9B] =	sst s1;
	(tag) =	ssettag s2;
	_ =	strace s9  }
0x27: {  	s1 =	sld [smem:$0x3FAB]  }
0x28: {  	s2 =	sld [smem:$0x3FAC]  }
0x29: {  	s4 =	sld [smem:$0x3FAE]  }
0x2a: {  	p0 =	seq.s32 s5, $0x0;
	s5 =	sld [smem:$0x3FAF]  }
0x2b: {  	s6 =	sld [smem:$0x3FB0]  }
0x2c: {  	s7 =	sld [smem:$0x3FB1]  }
0x2d: {  	s3 =	simm.s32 $0x108;
	s8 =	sld [smem:$0x3FB2]  }
0x2e: {  	s3 =	simm.s32 @!p0 $0x1082;
	s9 =	sld [smem:$0x3FB3]  }
0x2f: {  	lr =	sadd.s32 s0, s3;
	s0 =	sld [smem:$0x3FAA]  }
0x30: {  	s3 =	sld [smem:$0x3FAD]  }
0x31: {  	[smem:$0x3FB6] =	sst s10  }
0x32: {  	s10 =	sld [smem:$0x3FB4];
	_ =	sdelay $0x3  }
0x33: {  	p0 =	seq.s32 s10, $0x1;
	s10 =	sld [smem:$0x3FB6];
	_ =	sdelay $0x3  }
0x34: {  	[smem:$0x3FB6] =	sst s10  }
0x35: {  	s10 =	sld [smem:$0x3FB5];
	_ =	sdelay $0x3  }
0x36: {  	p1 =	seq.s32 s10, $0x1;
	s10 =	sld [smem:$0x3FB6];
	_ =	sdelay $0x3  }
0x37: {  	[smem:$0x3FB6] =	sst s10  }
0x38: {  	s10 =	sld [smem:$0x3FB7]  }
0x39: {  	_ = 	snop;
	(pc) =	sbr.ind lr, $3  }
0x3a: {  	_ = 	snop  }
0x3b: {  	_ = 	snop  }
0x3c: {  	p2 =	seq.s32 s10, $0x1;
	s10 =	sld [smem:$0x3FB6]  }
0x3d: {  	_ =	shalt  }
0x3e: {  	_ =	shalt  }
0x3f: {  	_ =	shalt  }
0x40: {  	_ =	shalt  }
0x41: {  	_ =	shalt  }
0x42: {  	_ =	shalt  }
0x43: {  	_ =	shalt  }
0x44: {  	_ =	shalt  }
0x45: {  	_ =	shalt  }
0x46: {  	_ =	shalt  }
0x47: {  	_ =	shalt  }
0x48: {  	_ =	shalt  }
0x49: {  	_ =	shalt  }
0x4a: {  	_ =	shalt  }
0x4b: {  	_ =	shalt  }
0x4c: {  	_ =	shalt  }
0x4d: {  	_ =	shalt  }
0x4e: {  	_ =	shalt  }
0x4f: {  	_ =	shalt  }
0x50: {  	_ =	shalt  }
0x51: {  	_ =	shalt  }
0x52: {  	_ =	shalt  }
0x53: {  	_ =	shalt  }
0x54: {  	_ =	shalt  }
0x55: {  	_ =	shalt  }
0x56: {  	_ =	shalt  }
0x57: {  	_ =	shalt  }
0x58: {  	_ =	shalt  }
0x59: {  	_ =	shalt  }
0x5a: {  	_ =	shalt  }
0x5b: {  	_ =	shalt  }
0x5c: {  	_ =	shalt  }
0x5d: {  	_ =	shalt  }
0x5e: {  	_ =	shalt  }
0x5f: {  	_ =	shalt  }
0x60: {  	_ =	shalt  }
0x61: {  	_ =	shalt  }
0x62: {  	_ =	shalt  }
0x63: {  	_ =	shalt  }
0x64: {  	_ =	shalt  }
0x65: {  	_ =	shalt  }
0x66: {  	_ =	shalt  }
0x67: {  	_ =	shalt  }
0x68: {  	_ =	shalt  }
0x69: {  	_ =	shalt  }
0x6a: {  	_ =	shalt  }
0x6b: {  	_ =	shalt  }
0x6c: {  	_ =	shalt  }
0x6d: {  	_ =	shalt  }
0x6e: {  	_ =	shalt  }
0x6f: {  	_ =	shalt  }
0x70: {  	_ =	shalt  }
0x71: {  	_ =	shalt  }
0x72: {  	_ =	shalt  }
0x73: {  	_ =	shalt  }
0x74: {  	_ =	shalt  }
0x75: {  	_ =	shalt  }
0x76: {  	_ =	shalt  }
0x77: {  	_ =	shalt  }
0x78: {  	_ =	shalt  }
0x79: {  	_ =	shalt  }
0x7a: {  	_ =	shalt  }
0x7b: {  	_ =	shalt  }
0x7c: {  	_ =	shalt  }
0x7d: {  	_ =	shalt  }
0x7e: {  	_ =	shalt  }
0x7f: {  	_ =	shalt  }
0x80: {  	_ =	shalt  }
0x81: {  	_ =	shalt  }
0x82: {  	_ =	shalt  }
0x83: {  	_ =	shalt  }
0x84: {  	_ =	shalt  }
0x85: {  	_ =	shalt  }
0x86: {  	_ =	shalt  }
0x87: {  	_ =	shalt  }
.Lfunc_end0:
.L_simem_size_0:
called_computation.3_lowered:
.L_overlay_start_0:
0x88: {  	s2 =	sld [smem:$0x3FD9]  }
0x89: {  	s3 =	sld [smem:$0x3FFE];
	_ =	sdelay $0x1  }
0x8a: {  	s1 =	srdreg.scid  }
0x8b: {  	s0 =	sand.u32 $0x1, s1  }
0x8c: {  	s16 =	sshll.u32 s0, $0xA;
	s2 =	sadd.s32 s3, s2  }
0x8d: {  	s2 =	sadd.s32 s2, s16  }
0x8e: {  	[smem:$0x3FC2] =	sst s2  }
0x8f: {  	_ = 	snop  }
0x90: {  	(tm) =	ssettm $0x1  }
0x91: {  	s17 =	sld [smem:$0x3FFB];
	_ =	sdelay $0x3  }
0x92: {  	_ =	strace s17  }
0x93: {  	s2 =	sld [smem:$0x3FFC];
	_ =	sdelay $0x3  }
0x94: {  	_ =	strace s2  }
0x95: {  	s2 =	sld [smem:$0x3FFD];
	_ =	sdelay $0x3  }
0x96: {  	_ =	strace s2  }
0x97: {  	_ =	strace $0x8FFFFFFF  }
0x98: {  	s18 =	sld [smem:$0x3FDB];
	_ =	sdelay $0x1  }
0x99: {  	s19 =	simm.s32 $_scs_section_size  }
0x9a: {  	s4 =	simm.s32 $_size__tile_overlayer_lowered;
	s5 =	simm.s32 $_tile_overlayer_lowered  }
0x9b: {  	s22 =	simm.s32 $0x1BFF;
	s21 =	sshll.u32 s5, $0x1;
	s2 =	sadd.s32 s19, s18  }
0x9c: {  	s6 =	simm.s32 $0x0;
	s20 =	sshll.u32 s4, $0x1;
	s4 =	sadd.s32 s21, s2  }
0x9d: {  	[timem:s6], [sflag:s22] =	dma.local [hbm:s4], s20  }
0x9e: {  	_ =	swait.ge [sflag:s22], s20  }
0x9f: {  	s3 =	ssub.s32 $0x0, s20;
	[sflag:s22] =	ssyncset.done $0x0  }
0xa0: {  	[sflag:s22] =	ssyncadd.s32 s3;
	_ =	sdelay $0x1  }
0xa1: {  	s23 =	simm.s32 $0x1B8B  }
0xa2: {  	_ =	swait.ge [sflag:s23], $0x1  }
0xa3: {  	[sflag:s23] =	ssyncset.done $0x0  }
0xa4: {  	s25 =	simm.s32 $0x1B8E;
	s24 =	sld [smem:$0x3FFE];
	[sflag:s23] =	ssyncadd.s32 $0xFFFFFFFF  }
0xa5: {  	s26 =	simm.s32 $execute0_lowered;
	[smem:$0x3FD2] =	sst s25  }
0xa6: {  	s4 =	sshll.u32 s26, $0x1;
	_ =	strace $0x8000004F;
	[dreg:$0x1] =	wrdreg $0xFFFFFFFF  }
0xa7: {  	s28 =	simm.s32 $_size_execute0_lowered;
	s2 =	sadd.s32 s2, s4;
	[dreg:$0x0] =	wrdreg $0x0  }
0xa8: {  	s4 =	sshll.u32 s28, $0x1;
	[dreg:$0x2] =	wrdreg s2  }
0xa9: {  	[dreg:$0x3] =	wrdreg s4  }
0xaa: {  	[dreg:$0x4] =	wrdreg $0xC0  }
0xab: {  	_ =	task [dreg:s6], $0x5FFFF  }
0xac: {  	[dreg:$0x1] =	wrdreg $0xFFFFFFFF  }
0xad: {  	[dreg:$0x0] =	wrdreg $0x60  }
0xae: {  	[dreg:$0x2] =	wrdreg s24  }
0xaf: {  	[dreg:$0x3] =	wrdreg $0x9  }
0xb0: {  	_ =	task.clear_ibuf [dreg:s6], $0x4FFFF;
	_ =	strace $0x9000004F  }
0xb1: {  	s29 =	simm.s32 $0x9;
	_ =	strace $0x80000051  }
0xb2: {  	_ =	swait.ge [sflag:s29], $0x1  }
0xb3: {  	[sflag:s29] =	ssyncadd.s32 $0xFFFFFFFF  }
0xb4: {  	_ =	strace $0x90000051  }
0xb5: {  	_ =	sfence  }
0xb6: {  	s30 =	sld [smem:$0x0];
	_ =	sdelay $0x2  }
0xb7: {  	s31 =	sshll.u32 s1, $0xD;
	s1 =	sshrl.u32 s1, $0x2  }
0xb8: {  	s3 =	sand.u32 $0x4000, s31;
	s1 =	sadd.s32 s1, s30  }
0xb9: {  	s0 =	sor.u32 s3, s0;
	s1 =	sshll.u32 s1, $0x11  }
0xba: {  	s0 =	sor.u32 s1, s0  }
0xbb: {  	s0 =	sadd.s32 $0x8F2B, s0  }
0xbc: {  	[sflag:s0] =	ssyncadd.remote.s32 $0x1  }
0xbd: {  	_ =	sfence.sel $0xFFFF  }
0xbe: {  	[dreg:$0x0] =	wrdreg $0xFFFFFFFF;
	(pc) =	sbr.abs _section_cstart, $3  }
0xbf: {  	[dreg:$0x1] =	wrdreg $0xFFFFFFFF  }
0xc0: {  	_ =	task.clear_ibuf [dreg:s6], $0x2FFFF;
	_ =	strace $0x9FFFFFFF  }
0xc1: {  	(tm) =	ssettm $0x7FFFFFFF  }
tec
execute0_lowered:
.L_overlay_start_1:
0x0: {  	(tag) =	ssettag $0x1  }
0x1: {  	s1 =	srdreg.scid;
	s0 =	stileid.u32  }
0x2: {  	s13 =	sand.u32 $0x1, s1;
	s29 =	sshll.u32 s0, $0x1  }
0x3: {  	s14 =	sor.u32 s13, s29  }
0x4: {  	s2 =	rddreg [dreg:$0x0];
	s4 =	smul.u32 $0x28, s14  }
0x5: {  	s3 =	simm.s32 $0x0;
	s1 =	rddreg [dreg:$0x1]  }
0x6: {  	[smem:$0x7FF] =	sst s3;
	s4 =	sadd.s32 s4, s2  }
0x7: {  	_ =	strace $0x80000050;
	s5 =	sadd.s32 $0x57600, s4;
	s4 =	simm.s32 $0x2  }
0x8: {  	[tilespmem:s3], [sflag:$0x2] =	stream.linear.gather [hbm4b:s5+s3], $0x140, $0x38;
	[tilespmem:$0xA180] =	vst v63  }
0x9: {  	_ =	swait.ge [sflag:s4], $0x140  }
0xa: {  	[sflag:s4] =	ssyncset.done $0x0  }
0xb: {  	s6 =	simm.s32 $0x80;
	s7 =	simm.s32 $0x180;
	[sflag:s4] =	ssyncadd.s32 $0xFFFFFEC0  }
0xc: {  	[tilespmem:s7], [sflag:$0x1] =	stream.indirect.gather [hbm4b:s2+s6], $0x80, s3, s6, $0xb8;
	[tilespmem:$0xA180] =	vst v63  }
0xd: {  	s8 =	simm.s32 $0x4180;
	s9 =	simm.s32 $0x40  }
0xe: {  	[tilespmem:s8], [sflag:$0x1] =	stream.indirect.gather [hbm4b:s2+s6], $0x80, s6, s6, $0xb8;
	[tilespmem:$0xA180] =	vst v63  }
0xf: {  	s10 =	simm.s32 $0x100;
	s11 =	simm.s32 $0x8180;
	s12 =	simm.s32 $0x1  }
0x10: {  	[tilespmem:s11], [sflag:$0x1] =	stream.indirect.gather [hbm4b:s2+s9], $0x80, s10, s9, $0xb8;
	[tilespmem:$0xA180] =	vst v63  }
0x11: {  	_ =	swait.ge [sflag:s12], $0x4000  }
0x12: {  	[sflag:s12] =	ssyncset.done $0x0  }
0x13: {  	s13 =	ssub.s32 $0x2, s13;
	[sflag:s12] =	ssyncadd.s32 $0xFFFFC000  }
0x14: {  	s15 =	sshrl.u32 s13, $0x1;
	_ =	swait.ge [sflag:s12], $0x4000  }
0x15: {  	s15 =	ssub.s32 s13, s15;
	[sflag:s12] =	ssyncset.done $0x0  }
0x16: {  	s14 =	smul.u32 $0x1400, s14;
	s31 =	smax.u32 s15, $0x1;
	[sflag:s12] =	ssyncadd.s32 $0xFFFFC000  }
0x17: {  	p0 =	sne.s32 s31, $0x1;
	_ =	swait.ge [sflag:s12], $0x2000  }
.Ltmp0:
0x18: {  	s30 =	sadd.s32 s14, s2;
	[sflag:s12] =	ssyncset.done $0x0;
	(pc) =	sbr.rel @!p0 .LBB2_2-.Ltmp0, $4  }
0x19: {  	s13 =	sadd.s32 $0x2B000, s30;
	[sflag:s12] =	ssyncadd.s32 $0xFFFFE000  }
0x1a: {  	[hbm4b:s13+s3] =	stream.linear.scatter [tilespmem:s7], [sflag:$0x2], $0xA000, $0x38;
	[tilespmem:$0xA180] =	vst v63  }
0x1b: {  	_ =	swait.ge [sflag:s4], $0xA000  }
0x1c: {  	s14 =	sadd.s32 $0xFFFFFFFF, s31;
	[sflag:s4] =	ssyncset.done $0x0  }
.LBB2_1:
0x1d: {  	p0 =	sne.s32 s14, $0x1;
	s14 =	sadd.s32 $0xFFFFFFFF, s14;
	[sflag:s4] =	ssyncadd.s32 $0xFFFF6000  }
0x1e: {  	[tilespmem:s3], [sflag:$0x2] =	stream.linear.gather [hbm4b:s5+s3], $0x140, $0x38;
	[tilespmem:$0xA180] =	vst v63  }
0x1f: {  	_ =	swait.ge [sflag:s4], $0x140  }
0x20: {  	[sflag:s4] =	ssyncset.done $0x0  }
0x21: {  	[sflag:s4] =	ssyncadd.s32 $0xFFFFFEC0  }
0x22: {  	[tilespmem:s7], [sflag:$0x1] =	stream.indirect.gather [hbm4b:s2+s6], $0x80, s3, s6, $0xb8;
	[tilespmem:$0xA180] =	vst v63  }
0x23: {  	_ = 	snop  }
0x24: {  	[tilespmem:s8], [sflag:$0x1] =	stream.indirect.gather [hbm4b:s2+s6], $0x80, s6, s6, $0xb8;
	[tilespmem:$0xA180] =	vst v63  }
0x25: {  	_ = 	snop  }
0x26: {  	[tilespmem:s11], [sflag:$0x1] =	stream.indirect.gather [hbm4b:s2+s9], $0x80, s10, s9, $0xb8;
	[tilespmem:$0xA180] =	vst v63  }
0x27: {  	_ =	swait.ge [sflag:s12], $0x4000  }
0x28: {  	[sflag:s12] =	ssyncset.done $0x0  }
0x29: {  	[sflag:s12] =	ssyncadd.s32 $0xFFFFC000  }
0x2a: {  	_ =	swait.ge [sflag:s12], $0x4000  }
0x2b: {  	[sflag:s12] =	ssyncset.done $0x0  }
0x2c: {  	[sflag:s12] =	ssyncadd.s32 $0xFFFFC000  }
0x2d: {  	_ =	swait.ge [sflag:s12], $0x2000  }
.Ltmp1:
0x2e: {  	[sflag:s12] =	ssyncset.done $0x0;
	(pc) =	sbr.rel @p0 .LBB2_1-.Ltmp1, $4  }
0x2f: {  	[sflag:s12] =	ssyncadd.s32 $0xFFFFE000  }
0x30: {  	[hbm4b:s13+s3] =	stream.linear.scatter [tilespmem:s7], [sflag:$0x2], $0xA000, $0x38;
	[tilespmem:$0xA180] =	vst v63  }
0x31: {  	_ =	swait.ge [sflag:s4], $0xA000  }
0x32: {  	[sflag:s4] =	ssyncset.done $0x0  }
.LBB2_2:
0x33: {  	[sflag:s4] =	ssyncadd.s32 $0xFFFF6000  }
0x34: {  	_ =	sfence.sel $0x180000  }
0x35: {  	[bflag:$0x0] =	sbarrier.arrive $0xFFFF  }
0x36: {  	p0 =	sne.s32 s0, $0x0;
	_ =	strace $0x90000050  }
0x37: {  	s0 =	sadd.s32 @!p0 $0x100000, s1;
	[bflag:$0x2] =	sbarrier.arrive $0xFFFF  }
0x38: {  	[sflag:s0] =	ssyncadd.tile.s32 @!p0 $0x1;
	_ =	shalt  }
.Lfunc_end2:
_tile_overlayer_lowered:
.L_overlay_start_2:
0x39: {  	(tag) =	ssettag $0x2  }
0x3a: {  	s0 =	rddreg [dreg:$0x0];
	s2 =	stileid.u32  }
0x3b: {  	s1 =	rddreg [dreg:$0x1];
	p0 =	sne.s32 s2, $0x0  }
0x3c: {  	s3 =	rddreg [dreg:$0x2];
	[bflag:$0x3] =	sbarrier.arrive $0xFFFF;
	s2 =	simm.s32 @!p0 $0x1C02  }
0x3d: {  	[timem:s3], [sflag:s2] =	dma.local @!p0 [hbm:s0], s1  }
0x3e: {  	s0 =	simm.s32 @!p0 $0x2  }
0x3f: {  	_ =	swait.ge @!p0 [sflag:s0], s1  }
0x40: {  	s1 =	ssub.s32 @!p0 $0x0, s1;
	[sflag:s0] =	ssyncset.done @!p0 $0x0  }
0x41: {  	[sflag:s0] =	ssyncadd.s32 @!p0 s1  }
0x42: {  	[bflag:$0x3] =	sbarrier.arrive $0xFFFF  }
0x43: {  	_ =	shalt  }

// kernel: scatter_offload_async_start
scs
__scs_entry_jumppad:
0x0: {  	(pc) =	sbr.rel $0x88, $3  }
0x1: {  	(tag) =	ssettag $0x0;
	lr =	simm.s32 $0x1  }
0x2: {  	[smem:$0x3F9B] =	sst lr;
	_ =	strace $0xD0000000  }
0x3: {  	_ = 	snop  }
0x4: {  	_ = 	snop  }
0x5: {  	_ = 	snop  }
0x6: {  	_ = 	snop  }
0x7: {  	_ = 	snop  }
__scs_overlays_trampoline_lowered:
0x8: {  	[smem:$0x3FAA] =	sst s0  }
0x9: {  	[smem:$0x3FAB] =	sst s1  }
0xa: {  	[smem:$0x3FAC] =	sst s2  }
0xb: {  	[smem:$0x3FAD] =	sst s3  }
0xc: {  	[smem:$0x3FAE] =	sst s4  }
0xd: {  	[smem:$0x3FAF] =	sst s5  }
0xe: {  	[smem:$0x3FB0] =	sst s6  }
0xf: {  	[smem:$0x3FB1] =	sst s7  }
0x10: {  	[smem:$0x3FB2] =	sst s8  }
0x11: {  	[smem:$0x3FB3] =	sst s9;
	s0 =	simm.s32 @!p0 $0x0  }
0x12: {  	s1 =	sld [smem:$0x3F99];
	s0 =	simm.s32 @p0 $0x1  }
0x13: {  	[smem:$0x3FB4] =	sst s0;
	s0 =	simm.s32 @!p1 $0x0  }
0x14: {  	s2 =	sld [smem:$0x3F98];
	s0 =	simm.s32 @p1 $0x1  }
0x15: {  	[smem:$0x3FB5] =	sst s0;
	s0 =	simm.s32 @!p2 $0x0  }
0x16: {  	s3 =	sld [smem:$0x3FDB];
	s0 =	simm.s32 @p2 $0x1  }
0x17: {  	s4 =	simm.s32 $0x1BF5;
	[smem:$0x3FB7] =	sst s0  }
0x18: {  	s0 =	sld [smem:$0x3F9A];
	_ =	swait.ge [sflag:s4], $0x0  }
0x19: {  	s7 =	sld [smem:$0x3F9B]  }
0x1a: {  	s8 =	sadd.s32 $0xFFFFE003, lr  }
0x1b: {  	s9 =	sadd.s32 $0xFFFFFEF7, lr;
	s5 =	simm.s32 $0xFFFFFFFF;
	p2 =	slt.u32 s8, $0xFFFFF086  }
0x1c: {  	p1 =	slt.u32 s9, $0xF7A;
	s5 =	simm.s32 @!p2 $0x0  }
0x1d: {  	s5 =	simm.s32 @p1 $0x1;
	p0 =	seq.s32 s7, s2  }
0x1e: {  	s7 =	smul.u32 @!p0 $0xF7A, s2;
	p2 =	seq.s32 @!p0 s5, $0x0  }
0x1f: {  	s9 =	smul.u32 $0xF7A, s1;
	s8 =	simm.s32 @!p0 $0x1BF5;
	p2 =	por !p2, p0  }
0x20: {  	[sflag:s8] =	ssyncset.s32 @!p0 $0xFFFFF086;
	s6 =	sadd.s32 @!p0 s3, s7;
	s7 =	simm.s32 @!p0 $0x108  }
0x21: {  	s3 =	sadd.s32 s3, s9;
	s6 =	sadd.s32 @!p0 $0x88, s6;
	s7 =	simm.s32 @p2 $0x1082  }
0x22: {  	[simem:s7], [sflag:s8] =	dma.local @!p0 [hbm:s6], $0xF7A  }
0x23: {  	s9 =	sor.u32 $0xD0000000, s2;
	s6 =	simm.s32 $0x108;
	_ =	swait.ge @!p0 [sflag:s8], $0x0  }
0x24: {  	s3 =	sadd.s32 $0x88, s3;
	s6 =	simm.s32 @!p1 $0x1082;
	[sflag:s4] =	ssyncset.s32 $0xFFFFF086  }
0x25: {  	[simem:s6], [sflag:s4] =	dma.local [hbm:s3], $0xF7A  }
0x26: {  	[smem:$0x3F9B] =	sst s1;
	(tag) =	ssettag s2;
	_ =	strace s9  }
0x27: {  	s1 =	sld [smem:$0x3FAB]  }
0x28: {  	s2 =	sld [smem:$0x3FAC]  }
0x29: {  	s4 =	sld [smem:$0x3FAE]  }
0x2a: {  	p0 =	seq.s32 s5, $0x0;
	s5 =	sld [smem:$0x3FAF]  }
0x2b: {  	s6 =	sld [smem:$0x3FB0]  }
0x2c: {  	s7 =	sld [smem:$0x3FB1]  }
0x2d: {  	s3 =	simm.s32 $0x108;
	s8 =	sld [smem:$0x3FB2]  }
0x2e: {  	s3 =	simm.s32 @!p0 $0x1082;
	s9 =	sld [smem:$0x3FB3]  }
0x2f: {  	lr =	sadd.s32 s0, s3;
	s0 =	sld [smem:$0x3FAA]  }
0x30: {  	s3 =	sld [smem:$0x3FAD]  }
0x31: {  	[smem:$0x3FB6] =	sst s10  }
0x32: {  	s10 =	sld [smem:$0x3FB4];
	_ =	sdelay $0x3  }
0x33: {  	p0 =	seq.s32 s10, $0x1;
	s10 =	sld [smem:$0x3FB6];
	_ =	sdelay $0x3  }
0x34: {  	[smem:$0x3FB6] =	sst s10  }
0x35: {  	s10 =	sld [smem:$0x3FB5];
	_ =	sdelay $0x3  }
0x36: {  	p1 =	seq.s32 s10, $0x1;
	s10 =	sld [smem:$0x3FB6];
	_ =	sdelay $0x3  }
0x37: {  	[smem:$0x3FB6] =	sst s10  }
0x38: {  	s10 =	sld [smem:$0x3FB7]  }
0x39: {  	_ = 	snop;
	(pc) =	sbr.ind lr, $3  }
0x3a: {  	_ = 	snop  }
0x3b: {  	_ = 	snop  }
0x3c: {  	p2 =	seq.s32 s10, $0x1;
	s10 =	sld [smem:$0x3FB6]  }
0x3d: {  	_ =	shalt  }
0x3e: {  	_ =	shalt  }
0x3f: {  	_ =	shalt  }
0x40: {  	_ =	shalt  }
0x41: {  	_ =	shalt  }
0x42: {  	_ =	shalt  }
0x43: {  	_ =	shalt  }
0x44: {  	_ =	shalt  }
0x45: {  	_ =	shalt  }
0x46: {  	_ =	shalt  }
0x47: {  	_ =	shalt  }
0x48: {  	_ =	shalt  }
0x49: {  	_ =	shalt  }
0x4a: {  	_ =	shalt  }
0x4b: {  	_ =	shalt  }
0x4c: {  	_ =	shalt  }
0x4d: {  	_ =	shalt  }
0x4e: {  	_ =	shalt  }
0x4f: {  	_ =	shalt  }
0x50: {  	_ =	shalt  }
0x51: {  	_ =	shalt  }
0x52: {  	_ =	shalt  }
0x53: {  	_ =	shalt  }
0x54: {  	_ =	shalt  }
0x55: {  	_ =	shalt  }
0x56: {  	_ =	shalt  }
0x57: {  	_ =	shalt  }
0x58: {  	_ =	shalt  }
0x59: {  	_ =	shalt  }
0x5a: {  	_ =	shalt  }
0x5b: {  	_ =	shalt  }
0x5c: {  	_ =	shalt  }
0x5d: {  	_ =	shalt  }
0x5e: {  	_ =	shalt  }
0x5f: {  	_ =	shalt  }
0x60: {  	_ =	shalt  }
0x61: {  	_ =	shalt  }
0x62: {  	_ =	shalt  }
0x63: {  	_ =	shalt  }
0x64: {  	_ =	shalt  }
0x65: {  	_ =	shalt  }
0x66: {  	_ =	shalt  }
0x67: {  	_ =	shalt  }
0x68: {  	_ =	shalt  }
0x69: {  	_ =	shalt  }
0x6a: {  	_ =	shalt  }
0x6b: {  	_ =	shalt  }
0x6c: {  	_ =	shalt  }
0x6d: {  	_ =	shalt  }
0x6e: {  	_ =	shalt  }
0x6f: {  	_ =	shalt  }
0x70: {  	_ =	shalt  }
0x71: {  	_ =	shalt  }
0x72: {  	_ =	shalt  }
0x73: {  	_ =	shalt  }
0x74: {  	_ =	shalt  }
0x75: {  	_ =	shalt  }
0x76: {  	_ =	shalt  }
0x77: {  	_ =	shalt  }
0x78: {  	_ =	shalt  }
0x79: {  	_ =	shalt  }
0x7a: {  	_ =	shalt  }
0x7b: {  	_ =	shalt  }
0x7c: {  	_ =	shalt  }
0x7d: {  	_ =	shalt  }
0x7e: {  	_ =	shalt  }
0x7f: {  	_ =	shalt  }
0x80: {  	_ =	shalt  }
0x81: {  	_ =	shalt  }
0x82: {  	_ =	shalt  }
0x83: {  	_ =	shalt  }
0x84: {  	_ =	shalt  }
0x85: {  	_ =	shalt  }
0x86: {  	_ =	shalt  }
0x87: {  	_ =	shalt  }
.Lfunc_end0:
.L_simem_size_0:
called_computation_lowered:
.L_overlay_start_0:
0x88: {  	s0 =	sld [smem:$0x3FD9]  }
0x89: {  	s1 =	sld [smem:$0x3FFE];
	_ =	sdelay $0x3  }
0x8a: {  	s0 =	sadd.s32 s1, s0  }
0x8b: {  	[smem:$0x3FC2] =	sst s0  }
0x8c: {  	_ = 	snop  }
0x8d: {  	s0 =	sld [smem:$0x3FD0];
	_ =	sdelay $0x2  }
0x8e: {  	s13 =	simm.s32 $0xB;
	s2 =	simm.s32 $0x10  }
0x8f: {  	[smem:s2], [sflag:s13] =	dma.local [hbm:s0], $0x1  }
0x90: {  	_ =	swait.eq [sflag:s13], $0x1  }
0x91: {  	[sflag:s13] =	ssyncset.done $0x0  }
0x92: {  	[sflag:s13] =	ssyncadd.s32 $0xFFFFFFFF  }
0x93: {  	s14 =	sld [smem:$0x11];
	(tm) =	ssettm $0x1  }
0x94: {  	s15 =	sld [smem:$0x3FFB];
	_ =	sdelay $0x3  }
0x95: {  	_ =	strace s15  }
0x96: {  	s1 =	sld [smem:$0x3FFC];
	_ =	sdelay $0x3  }
0x97: {  	_ =	strace s1  }
0x98: {  	s1 =	sld [smem:$0x3FFD];
	_ =	sdelay $0x3  }
0x99: {  	_ =	strace s1  }
0x9a: {  	_ =	strace $0x8FFFFFFF  }
0x9b: {  	s16 =	sld [smem:$0x3FDB];
	_ =	sdelay $0x1  }
0x9c: {  	s17 =	simm.s32 $_scs_section_size  }
0x9d: {  	s3 =	simm.s32 $_size__tile_overlayer_lowered;
	s4 =	simm.s32 $_tile_overlayer_lowered  }
0x9e: {  	s20 =	simm.s32 $0x1BFF;
	s19 =	sshll.u32 s4, $0x1;
	s1 =	sadd.s32 s17, s16  }
0x9f: {  	s5 =	simm.s32 $0x0;
	s18 =	sshll.u32 s3, $0x1;
	s3 =	sadd.s32 s19, s1  }
0xa0: {  	[timem:s5], [sflag:s20] =	dma.local [hbm:s3], s18  }
0xa1: {  	_ =	swait.ge [sflag:s20], s18  }
0xa2: {  	s2 =	ssub.s32 $0x0, s18;
	[sflag:s20] =	ssyncset.done $0x0  }
0xa3: {  	[sflag:s20] =	ssyncadd.s32 s2;
	_ =	sdelay $0x1  }
0xa4: {  	s21 =	simm.s32 $0x1B8B  }
0xa5: {  	_ =	swait.ge [sflag:s21], $0x1  }
0xa6: {  	[sflag:s21] =	ssyncset.done $0x0  }
0xa7: {  	s23 =	simm.s32 $0x1B8E;
	s22 =	sld [smem:$0x3FFE];
	[sflag:s21] =	ssyncadd.s32 $0xFFFFFFFF  }
0xa8: {  	s24 =	simm.s32 $execute0_lowered;
	[smem:$0x3FD2] =	sst s23  }
0xa9: {  	s3 =	sshll.u32 s24, $0x1;
	_ =	strace $0x80000046;
	[dreg:$0x1] =	wrdreg $0xFFFFFFFF  }
0xaa: {  	s25 =	simm.s32 $_size_execute0_lowered;
	s1 =	sadd.s32 s1, s3;
	[dreg:$0x0] =	wrdreg $0x0  }
0xab: {  	s3 =	sshll.u32 s25, $0x1;
	[dreg:$0x2] =	wrdreg s1  }
0xac: {  	[dreg:$0x3] =	wrdreg s3  }
0xad: {  	[dreg:$0x4] =	wrdreg $0xC0  }
0xae: {  	_ =	task [dreg:s5], $0x5FFFF  }
0xaf: {  	[dreg:$0x1] =	wrdreg $0xFFFFFFFF  }
0xb0: {  	[dreg:$0x0] =	wrdreg $0x60  }
0xb1: {  	[dreg:$0x2] =	wrdreg s22  }
0xb2: {  	[dreg:$0x3] =	wrdreg s14  }
0xb3: {  	[dreg:$0x4] =	wrdreg $0x9  }
0xb4: {  	_ =	task.clear_ibuf [dreg:s5], $0x5FFFF;
	_ =	strace $0x90000046  }
0xb5: {  	s26 =	simm.s32 $0x9;
	_ =	strace $0x80000048  }
0xb6: {  	_ =	swait.ge [sflag:s26], $0x1  }
0xb7: {  	[sflag:s26] =	ssyncadd.s32 $0xFFFFFFFF  }
0xb8: {  	_ =	strace $0x90000048  }
0xb9: {  	_ =	sfence  }
0xba: {  	s28 =	sld [smem:$0x0];
	_ =	sdelay $0x1  }
0xbb: {  	s29 =	srdreg.scid  }
0xbc: {  	s30 =	sshll.u32 s29, $0xD;
	s31 =	sshrl.u32 s29, $0x2  }
0xbd: {  	s2 =	sand.u32 $0x4000, s30;
	s1 =	sand.u32 $0x1, s29;
	s0 =	sadd.s32 s31, s28  }
0xbe: {  	s1 =	sor.u32 s2, s1;
	s0 =	sshll.u32 s0, $0x11  }
0xbf: {  	s0 =	sor.u32 s0, s1  }
0xc0: {  	s0 =	sadd.s32 $0x8F2B, s0  }
0xc1: {  	[sflag:s0] =	ssyncadd.remote.s32 $0x1  }
0xc2: {  	_ =	sfence.sel $0xFFFF  }
0xc3: {  	[dreg:$0x0] =	wrdreg $0xFFFFFFFF;
	(pc) =	sbr.abs _section_cstart, $3  }
0xc4: {  	[dreg:$0x1] =	wrdreg $0xFFFFFFFF  }
0xc5: {  	_ =	task.clear_ibuf [dreg:s5], $0x2FFFF;
	_ =	strace $0x9FFFFFFF  }
0xc6: {  	(tm) =	ssettm $0x7FFFFFFF  }
0xc7: {  	_ =	shalt  }
tec
execute0_lowered:
.L_overlay_start_1:
0x0: {  	(tag) =	ssettag $0x1  }
0x1: {  	s7 =	rddreg [dreg:$0x0]  }
0x2: {  	s2 =	rddreg [dreg:$0x1]  }
0x3: {  	s0 =	rddreg [dreg:$0x2]  }
0x4: {  	_ =	strace $0x80000047;
	s4 =	stileid.u32;
	s5 =	simm.s32 $0x3E  }
0x5: {  	s1 =	sadd.s32 $0x600, s7;
	p0 =	sne.s32 s4, $0x0;
	[sflag:s5] =	ssyncpa.u1 $0x0  }
0x6: {  	s30 =	smin.u32 s4, $0x9;
	s3 =	simm.s32 @!p0 $0x1C3E;
	s6 =	simm.s32 @!p0 $0x0  }
0x7: {  	[spmem:s6], [sflag:s3] =	dma.local @!p0 [hbm:s1], $0x280  }
0x8: {  	s3 =	sadd.s32 s4, s30  }
0x9: {  	p1 =	slt.u32 s4, $0x9;
	s4 =	simm.s32 $0x320;
	s3 =	smul.u32 $0x190, s3  }
0xa: {  	s4 =	simm.s32 @!p1 $0x190  }
0xb: {  	s4 =	sadd.s32 s4, s3  }
0xc: {  	s4 =	smin.u32 s4, $0x2710  }
0xd: {  	s8 =	ssub.s32 s4, s3  }
0xe: {  	p1 =	sgt.s32 s8, $0x0  }
0xf: {  	s8 =	simm.s32 @!p1 $0x0  }
0x10: {  	s9 =	sand.u32 $0xFFF0, s8  }
0x11: {  	s9 =	sshrl.u32 s9, $0x4  }
0x12: {  	s6 =	simm.s32 @!p0 $0x3E;
	s31 =	smul.u32 $0xA3E, s9  }
0x13: {  	_ =	swait.ge @!p0 [sflag:s6], $0x280  }
0x14: {  	[sflag:s6] =	ssyncset.done @!p0 $0x0;
	s9 =	sshrl.u32 s31, $0x10  }
0x15: {  	s11 =	simm.s32 $0x0;
	[sflag:s6] =	ssyncadd.s32 @!p0 $0xFFFFFD80;
	s10 =	smul.u32 $0x190, s9  }
.Ltmp0:
0x16: {  	s7 =	sadd.s32 $0xA00, s7;
	[bflag:$0x0] =	sbarrier.arrive $0xFFFF;
	(pc) =	sbr.rel .LBB2_1-.Ltmp0, $4  }
0x17: {  	s6 =	simm.s32 $0x2;
	[sflag:s5] =	ssyncpa.u1 $0x1;
	s5 =	simm.s32 $0x1  }
0x18: {  	[sflag:s5] =	ssyncpa.u1 $0x0;
	p1 =	sne.s32 s8, s10;
	s8 =	simm.s32 $0x1  }
0x19: {  	(ifvalue) =	ssetifvalue $0x1400;
	[sflag:s6] =	ssyncpa.u1 $0x0;
	s8 =	simm.s32 @!p1 $0x0  }
0x1a: {  	vm0 =	vmmov $0xffff;
	s10 =	smov.u32 s3;
	s8 =	sadd.s32 s9, s8;
	s9 =	simm.s32 $0x0  }
.LBB2_5:
0x1b: {  	p2 =	sne.s32 s11, s8  }
.Ltmp1:
0x1c: {  	_ = 	snop;
	(pc) =	sbr.rel @!p2 .LBB2_6-.Ltmp1, $4  }
0x1d: {  	_ = 	snop  }
0x1e: {  	s12 =	sadd.s32 $0x190, s10  }
0x1f: {  	s10 =	smov.u32 s3;
	s13 =	sadd.s32 $0x1, s11;
	p1 =	slt.s32 s12, s4  }
0x20: {  	s11 =	smov.u32 s13;
	s10 =	smov.u32 @p1 s12  }
.LBB2_1:
0x21: {  	p1 =	sge.u32 s11, s8  }
0x22: {  	s12 =	sxor.u32 @!p1 $0xFFFFFFFF, s11  }
0x23: {  	s12 =	sand.u32 @!p1 $0x1, s12  }
0x24: {  	s12 =	smul.u32 @!p1 $0x190, s12  }
0x25: {  	s13 =	sshrl.u32 @!p1 s10, $0x3  }
0x26: {  	s16 =	sand.u32 @!p1 $0x7, s10;
	s14 =	sadd.s32 @!p1 s2, s13;
	s15 =	sadd.s32 @!p1 $0x140, s12  }
0x27: {  	[tilespmem:s15], [sflag:$0x2] =	stream.linear.gather @!p1 [hbm4b:s14+s16], $0x190, $0x38;
	[tilespmem:$0x780] =	vst v63  }
0x28: {  	s13 =	sadd.s32 @!p1 s7, s13;
	s12 =	sadd.s32 @!p1 $0x460, s12  }
0x29: {  	[tilespmem:s12], [sflag:$0x2] =	stream.linear.gather @!p1 [hbm4b:s13+s16], $0x190, $0x38;
	[tilespmem:$0x780] =	vst v63  }
0x2a: {  	p1 =	seq.s32 s11, $0x0  }
.Ltmp2:
0x2b: {  	_ = 	snop;
	(pc) =	sbr.rel @p1 .LBB2_5-.Ltmp2, $1  }
0x2c: {  	_ =	sdelay $0x3  }
0x2d: {  	s12 =	sand.u32 $0x1, s11  }
0x2e: {  	_ =	swait.ge [sflag:s6], $0x320;
	p1 =	seq.s32 s12, $0x1;
	s12 =	simm.s32 $0x190  }
0x2f: {  	[sflag:s6] =	ssyncset.done $0x0;
	s12 =	simm.s32 @!p1 $0x0  }
0x30: {  	[sflag:s6] =	ssyncadd.s32 $0xFFFFFCE0;
	s14 =	sadd.s32 $0x140, s12  }
0x31: {  	v0 =	vld.msk [tilespmem:s14+$0x0 ss:$0x1], $0xffff;
	_ =	sdelay $0x4  }
0x32: {  	v0 =	vmin.u32 v0, $0x1400;
	_ =	sdelay $0x3  }
0x33: {  	s13 =	simm.s32 $0x0;
	s12 =	sor.u32 $0x460, s12;
	s14 =	sadd.s32 $0x10, s14  }
0x34: {  	[spmem:s9] =	stream.indirect_vreg.scatter.add.s32 [tilespmem:s12], [sflag:$0x1], $0x1, v0, vm0, $0x4038;
	[tilespmem:$0x780] =	vst v63  }
.LBB2_3:
0x35: {  	v0 =	vld.msk [tilespmem:s14+$0x0 ss:$0x1], $0xffff;
	s13 =	sadd.s32 $0x10, s13  }
0x36: {  	p1 =	slt.u32 s13, $0x180;
	_ =	sdelay $0x4  }
0x37: {  	v0 =	vmin.u32 v0, $0x1400  }
.Ltmp3:
0x38: {  	(pc) =	sbr.rel @p1 .LBB2_3-.Ltmp3, $3  }
0x39: {  	_ =	sdelay $0x1  }
0x3a: {  	s14 =	sadd.s32 $0x10, s14;
	s12 =	sadd.s32 $0x10, s12  }
0x3b: {  	[spmem:s9] =	stream.indirect_vreg.scatter.add.s32 [tilespmem:s12], [sflag:$0x1], $0x1, v0, vm0, $0x4038;
	[tilespmem:$0x780] =	vst v63  }
.Ltmp4:
0x3c: {  	(pc) =	sbr.rel .LBB2_5-.Ltmp4, $4  }
0x3d: {  	_ = 	snop  }
0x3e: {  	_ =	swait.ge [sflag:s5], $0x190  }
0x3f: {  	[sflag:s5] =	ssyncset.done $0x0  }
0x40: {  	[sflag:s5] =	ssyncadd.s32 $0xFFFFFE70  }
.LBB2_6:
0x41: {  	_ =	sfence.sel $0x180000  }
0x42: {  	s2 =	simm.s32 $0x2;
	[bflag:$0x0] =	sbarrier.arrive $0xFFFF  }
0x43: {  	s30 =	simm.s32 $0x1;
	[sflag:s2] =	ssyncpa.u1 $0x1  }
0x44: {  	[sflag:s30] =	ssyncpa.u1 $0x1  }
0x45: {  	_ =	sfence.stream.spmem  }
0x46: {  	s31 =	simm.s32 $0x3D;
	[bflag:$0x0] =	sbarrier.arrive $0xFFFF  }
0x47: {  	s2 =	simm.s32 @p0 $0x3D;
	[sflag:s31] =	ssyncpa.u1 $0x0  }
0x48: {  	[sflag:s2] =	ssyncpa.u1 @p0 $0x1  }
0x49: {  	[bflag:$0x0] =	sbarrier.arrive @p0 $0xFFFF  }
0x4a: {  	_ =	strace @p0 $0x90000047  }
0x4b: {  	s3 =	simm.s32 @!p0 $0x1C3D;
	s2 =	simm.s32 @!p0 $0x0;
	[bflag:$0x2] =	sbarrier.arrive @p0 $0xFFFF  }
0x4c: {  	[hbm:s1], [sflag:s3] =	dma.local @!p0 [spmem:s2], $0x280  }
0x4d: {  	s1 =	simm.s32 @!p0 $0x3D  }
0x4e: {  	_ =	swait.ge @!p0 [sflag:s1], $0x280  }
0x4f: {  	[sflag:s1] =	ssyncset.done @!p0 $0x0  }
0x50: {  	[sflag:s1] =	ssyncadd.s32 @!p0 $0xFFFFFD80  }
0x51: {  	[sflag:s1] =	ssyncpa.u1 @!p0 $0x1  }
0x52: {  	[bflag:$0x0] =	sbarrier.arrive @!p0 $0xFFFF  }
0x53: {  	_ =	strace @!p0 $0x90000047  }
0x54: {  	s0 =	sadd.s32 @!p0 $0x100000, s0;
	[bflag:$0x2] =	sbarrier.arrive @!p0 $0xFFFF  }
0x55: {  	[sflag:s0] =	ssyncadd.tile.s32 @!p0 $0x1;
	_ =	shalt  }
.Lfunc_end2:
_tile_overlayer_lowered:
.L_overlay_start_2:
0x56: {  	(tag) =	ssettag $0x2  }
0x57: {  	s0 =	rddreg [dreg:$0x0];
	s2 =	stileid.u32  }
0x58: {  	s1 =	rddreg [dreg:$0x1];
	p0 =	sne.s32 s2, $0x0  }
0x59: {  	s3 =	rddreg [dreg:$0x2];
	[bflag:$0x3] =	sbarrier.arrive $0xFFFF;
	s2 =	simm.s32 @!p0 $0x1C01  }
0x5a: {  	[timem:s3], [sflag:s2] =	dma.local @!p0 [hbm:s0], s1  }
0x5b: {  	s0 =	simm.s32 @!p0 $0x1  }
0x5c: {  	_ =	swait.ge @!p0 [sflag:s0], s1  }
0x5d: {  	s1 =	ssub.s32 @!p0 $0x0, s1;
	[sflag:s0] =	ssyncset.done @!p0 $0x0  }
0x5e: {  	[sflag:s0] =	ssyncadd.s32 @!p0 s1  }
0x5f: {  	[bflag:$0x3] =	sbarrier.arrive $0xFFFF  }
0x60: {  	_ =	shalt  }

</sc_bundles>
